<compile_context>
chip_gen: v7x
topology: tpu7x:2x2x1
jax: 0.10.2.dev20260603
libtpu: 0.0.44.dev20260713+nightly
codegen_flags: <defaults>
</compile_context>

<pallas_src>
import functools

import jax
import jax.numpy as jnp
from jax import lax
from jax.experimental import pallas as pl
from jax.experimental.pallas import tpu as pltpu
from jax.experimental.pallas import tpu_sc as plsc

_B, _K, _H, _W = 16, 17, 80, 80
_CH = 40
_NC = _H // _CH
_PLANES = _B * _K
_NWORK = 32
_MAXP = (_PLANES + _NWORK - 1) // _NWORK


def _tc_body(xi_ref, xr_ref, xs_ref, ti_ref, tr_ref, out_ref):
    step = pl.program_id(0) * pl.num_programs(1) + pl.program_id(1)

    tsum = ti_ref[0, _K]
    for k in range(_K):
        tsum = tsum + ti_ref[0, k]
    bce_mask = tsum > 0.5

    acc_per = jnp.zeros((_CH, _W), jnp.float32)
    acc_reg = jnp.zeros((_CH, _W), jnp.float32)
    for k in range(_K):
        bt = ti_ref[0, k]
        x = xi_ref[0, k]
        acc_per += (jnp.maximum(x, 0.0) - x * bt
                    + jnp.log1p(jnp.exp(-jnp.abs(x))))

        reg_mask = bt > 0.5
        d = ((xr_ref[0, k, 0] - tr_ref[0, k, 0]) ** 2
             + (xr_ref[0, k, 1] - tr_ref[0, k, 1]) ** 2)
        norm = jnp.sqrt(jnp.where(reg_mask, d, 1.0))
        xs = xs_ref[0, k]
        lap = 0.694 + xs + norm * jnp.exp(-xs)
        acc_reg += jnp.where(reg_mask, lap, 0.0)

    ce_part = jnp.sum(jnp.where(bce_mask, acc_per, 0.0))
    nsel_part = float(_K) * jnp.sum(bce_mask.astype(jnp.float32))
    reg_part = jnp.sum(acc_reg)

    @pl.when(step == 0)
    def _():
        out_ref[0] = ce_part
        out_ref[1] = nsel_part
        out_ref[2] = reg_part

    @pl.when(step != 0)
    def _():
        out_ref[0] += ce_part
        out_ref[1] += nsel_part
        out_ref[2] += reg_part


_FULL = _NWORK * (_PLANES // _NWORK)


def _sc_body(xc_hbm, tc_hbm, ti_hbm, sig_hbm, out_hbm,
             xc_v, tc_v, ti_v, sig_v, acc_v, sems):
    wid = lax.axis_index("s") * 2 + lax.axis_index("c")
    nfull = _PLANES // _NWORK

    pltpu.sync_copy(sig_hbm, sig_v)

    def start(i):
        slot = i % 2
        plane = wid + _NWORK * i
        b = plane // _K
        k = plane % _K
        cps = (
            pltpu.make_async_copy(xc_hbm.at[b, k], xc_v.at[slot], sems[slot]),
            pltpu.make_async_copy(tc_hbm.at[b, k], tc_v.at[slot], sems[slot]),
            pltpu.make_async_copy(ti_hbm.at[b, k], ti_v.at[slot], sems[slot]),
        )
        for c in cps:
            c.start()
        return cps

    def compute(i, cps):
        slot = i % 2
        for c in cps:
            c.wait()
        plane = wid + _NWORK * i
        sig = sig_v[plane % _K]

        def row(r, acc):
            for c in range(_W // 16):
                xc = xc_v[slot, r, pl.ds(c * 16, 16)]
                tc = tc_v[slot, r, pl.ds(c * 16, 16)]
                ti = ti_v[slot, r, pl.ds(c * 16, 16)]
                acc = acc + jnp.where(ti > 0.5,
                                      jnp.abs(xc - tc * sig), 0.0)
            return acc

        total = lax.fori_loop(0, _H, row, jnp.zeros((16,), jnp.float32))
        acc_v[...] += total

    acc_v[...] = jnp.zeros((16,), jnp.float32)

    pltpu.sync_copy(acc_v, out_hbm.at[wid])


@functools.partial(
    pl.kernel,
    out_type=jax.ShapeDtypeStruct((_NWORK, 16), jnp.float32),
    mesh=plsc.VectorSubcoreMesh(core_axis_name="c", subcore_axis_name="s"),
    scratch_types=[
        pltpu.VMEM((2, _H, _W), jnp.float32),
        pltpu.VMEM((2, _H, _W), jnp.float32),
        pltpu.VMEM((2, _H, _W), jnp.float32),
        pltpu.VMEM((_K, 16), jnp.float32),
        pltpu.VMEM((16,), jnp.float32),
        (pltpu.SemaphoreType.DMA, pltpu.SemaphoreType.DMA),
    ],
)
def _sc_scale(xc_hbm, tc_hbm, ti_hbm, sig_hbm, out_hbm,
              xc_v, tc_v, ti_v, sig_v, acc_v, sems):
    _sc_body(xc_hbm, tc_hbm, ti_hbm, sig_hbm, out_hbm,
             xc_v, tc_v, ti_v, sig_v, acc_v, sems)


def kernel(x_intensity, x_reg, x_spread, x_scale, t_intensity, t_reg,
           t_scale, scales_to_kp):
    sig16 = jnp.broadcast_to(scales_to_kp.reshape(_K, 1), (_K, 16))

    sc_parts = _sc_scale(x_scale, t_scale, t_intensity, sig16)

    sums = pl.pallas_call(
        _tc_body,
        grid=(_B, _NC),
        in_specs=[
            pl.BlockSpec((1, _K, _CH, _W), lambda b, c: (b, 0, c, 0)),
            pl.BlockSpec((1, _K, 2, _CH, _W), lambda b, c: (b, 0, 0, c, 0)),
            pl.BlockSpec((1, _K, _CH, _W), lambda b, c: (b, 0, c, 0)),
            pl.BlockSpec((1, _K + 1, _CH, _W), lambda b, c: (b, 0, c, 0)),
            pl.BlockSpec((1, _K, 2, _CH, _W), lambda b, c: (b, 0, 0, c, 0)),
        ],
        out_specs=pl.BlockSpec(memory_space=pltpu.SMEM),
        out_shape=jax.ShapeDtypeStruct((3,), jnp.float32),
    )(x_intensity, x_reg, x_spread, t_intensity, t_reg)

    ce_loss = sums[0] / sums[1]
    reg_loss = sums[2] / 1000.0 / _B
    scale_loss = jnp.sum(sc_parts) / 1000.0 / _B
    return (ce_loss, reg_loss, scale_loss)

# --- scband reference (transcript-rebuilt; emitter-appended) ---
"""Pipeline reference for scband-composite-loss-15358803051104 (READ-ONLY COPY).

The authoritative reference and input builder live on the scoring server;
editing this copy changes nothing except your own understanding.
"""

import jax, jax.numpy as jnp
import numpy as np

BACKGROUND_WEIGHT = 1.0
COCO_PERSON_SIGMAS = [0.026,0.025,0.025,0.035,0.035,0.079,0.079,0.072,0.072,0.062,0.062,0.107,0.107,0.087,0.087,0.089,0.089]

def setup_inputs(seed: int = 0):
    key = jax.random.key(seed)
    ks = jax.random.split(key, 8)
    B, K, H, W = 16, 17, 80, 80
    sigmas = jnp.array(COCO_PERSON_SIGMAS, dtype=jnp.float32)
    scales_to_kp = sigmas.reshape(1, 1, K, 1, 1)  # buffer: unsqueeze(0), unsqueeze(-1), unsqueeze(-1) of [1,K]
    return {
        "x_intensity": jax.random.normal(ks[0], (B, K, H, W), jnp.float32),
        "x_reg": jax.random.normal(ks[1], (B, K, 2, H, W), jnp.float32),
        "x_spread": jax.random.normal(ks[2], (B, K, H, W), jnp.float32),
        "x_scale": jax.random.normal(ks[3], (B, K, H, W), jnp.float32),
        "t_intensity": jax.random.uniform(ks[4], (B, K + 1, H, W), jnp.float32),
        "t_reg": jax.random.normal(ks[5], (B, K, 2, H, W), jnp.float32),
        "t_scale": jax.random.uniform(ks[6], (B, K, H, W), jnp.float32),
        "scales_to_kp": scales_to_kp,
    }

def reference(x_intensity, x_reg, x_spread, x_scale, t_intensity, t_reg, t_scale, scales_to_kp):
    batch_size = x_intensity.shape[0]
    # bce_masks = sum(target_intensity, dim=1, keepdim=True) > 0.5  -> [B,1,H,W]
    bce_masks = jnp.sum(t_intensity, axis=1, keepdims=True) > 0.5
    bce_target = t_intensity[:, :-1]                      # [B,K,H,W]
    maskb = jnp.broadcast_to(bce_masks, bce_target.shape) # masked_select broadcasting
    # binary_cross_entropy_with_logits with per-element weight, reduction='mean' over selected
    per = jnp.maximum(x_intensity, 0.0) - x_intensity * bce_target + jnp.log1p(jnp.exp(-jnp.abs(x_intensity)))
    w = jnp.where(bce_target == 0, BACKGROUND_WEIGHT, 1.0)
    n_sel = jnp.sum(maskb).astype(jnp.float32)
    ce_loss = jnp.sum(jnp.where(maskb, w * per, 0.0)) / n_sel
    # regression (laplace) loss over reg_masks = target_intensity[:, :-1] > 0.5
    reg_masks = t_intensity[:, :-1] > 0.5
    d = (x_reg[:, :, 0] - t_reg[:, :, 0]) ** 2 + (x_reg[:, :, 1] - t_reg[:, :, 1]) ** 2
    norm = jnp.sqrt(jnp.where(reg_masks, d, 1.0))
    lap = 0.694 + x_spread + norm * jnp.exp(-x_spread)
    reg_loss = jnp.sum(jnp.where(reg_masks, lap, 0.0)) / 1000.0 / batch_size
    # scale loss: l1, reduction='sum' over reg_masks
    s2k = scales_to_kp[0]  # [1,K,1,1] (iterating dim 0 of the buffer)
    scale_loss = jnp.sum(jnp.where(reg_masks, jnp.abs(x_scale - t_scale * s2k), 0.0)) / 1000.0 / batch_size
    return (ce_loss, reg_loss, scale_loss)

if __name__ == "__main__":
    import jax
    _d = setup_inputs()
    print(jax.jit(kernel)(*tuple(_d.values())))

</pallas_src>

<mosaic_0001>
#map = affine_map<(d0, d1) -> (0, 0, 0, 0)>
#map1 = affine_map<(d0, d1) -> (0, 0)>
module attributes {stable_mosaic.version = 14 : i64} {
  func.func @_sc_scale(%arg0: i32, %arg1: i32, %arg2: memref<16x17x80x80xf32, #tpu.memory_space<hbm>>, %arg3: memref<16x17x80x80xf32, #tpu.memory_space<hbm>>, %arg4: memref<16x18x80x80xf32, #tpu.memory_space<hbm>>, %arg5: memref<17x16xf32, #tpu.memory_space<hbm>>, %arg6: memref<32x16xf32, #tpu.memory_space<hbm>>, %arg7: memref<2x80x80xf32, #tpu.memory_space<vmem>>, %arg8: memref<2x80x80xf32, #tpu.memory_space<vmem>>, %arg9: memref<2x80x80xf32, #tpu.memory_space<vmem>>, %arg10: memref<17x16xf32, #tpu.memory_space<vmem>>, %arg11: memref<16xf32, #tpu.memory_space<vmem>>, %arg12: memref<!tpu.dma_semaphore, #tpu.memory_space<semaphore_mem>>, %arg13: memref<!tpu.dma_semaphore, #tpu.memory_space<semaphore_mem>>) attributes {dimension_semantics = [#tpu.dimension_semantics<core_parallel>, #tpu.dimension_semantics<subcore_parallel>], iteration_bounds = array<i64: 2, 16>, scalar_prefetch = 0 : i64, scratch_operands = 7 : i64, tpu.core_type = #tpu.core_type<sc_vector_subcore>, window_params = [{transform_indices = #map}, {transform_indices = #map}, {transform_indices = #map}, {transform_indices = #map1}, {transform_indices = #map1}]} {
    %mul3A = arith.constant 2 : i32
    %mul3A_0 = arith.muli %arg1, %mul3A : i32
    %add3A = arith.addi %mul3A_0, %arg0 : i32
    "tpu.region"() ({
      %run_scoped3A = tpu.sem_alloc : memref<!tpu.dma_semaphore, #tpu.memory_space<semaphore_mem>>
      tpu.enqueue_dma source(%arg5 : memref<17x16xf32, #tpu.memory_space<hbm>>) target(%arg10 : memref<17x16xf32, #tpu.memory_space<vmem>>) target_semaphore(%run_scoped3A : memref<!tpu.dma_semaphore, #tpu.memory_space<semaphore_mem>>)
      tpu.wait_dma2 semaphore(%run_scoped3A : memref<!tpu.dma_semaphore, #tpu.memory_space<semaphore_mem>>) src(%arg5 : memref<17x16xf32, #tpu.memory_space<hbm>>) dst(%arg10 : memref<17x16xf32, #tpu.memory_space<vmem>>)
      tpu.yield
    }) : () -> ()
    %broadcast_in_dim3A = arith.constant 0.000000e+00 : f32
    %broadcast_in_dim3A_1 = vector.broadcast %broadcast_in_dim3A : f32 to vector<16xf32>
    %swap3A = arith.constant 0 : index
    %swap3A_2 = tpu.vector_load %arg11[%swap3A] {strides = array<i32>} : memref<16xf32, #tpu.memory_space<vmem>>, vector<16xf32>,
    %swap3A_3 = vector.shape_cast %swap3A_2 : vector<16xf32> to vector<16xf32>
    %swap3A_4 = vector.shape_cast %broadcast_in_dim3A_1 : vector<16xf32> to vector<16xf32>
    tpu.vector_store %arg11[%swap3A], %swap3A_4 {strides = array<i32>} : memref<16xf32, #tpu.memory_space<vmem>>, vector<16xf32>,
    "tpu.region"() ({
      %run_scoped3A = tpu.sem_alloc : memref<!tpu.dma_semaphore, #tpu.memory_space<semaphore_mem>>
      %dma_start3A = arith.constant 0 : i32
      %dma_start3A_5 = tpu.memref_slice %arg6[%add3A, %dma_start3A] : memref<32x16xf32, #tpu.memory_space<hbm>> -> memref<1x16xf32, #tpu.memory_space<hbm>>
      %dma_start3A_6 = tpu.memref_squeeze %dma_start3A_5 : memref<1x16xf32, #tpu.memory_space<hbm>> -> memref<16xf32, #tpu.memory_space<hbm>>
      %dma_start3A_7 = arith.constant 0 : i32
      %dma_start3A_8 = tpu.memref_slice %arg6[%add3A, %dma_start3A_7] : memref<32x16xf32, #tpu.memory_space<hbm>> -> memref<1x16xf32, #tpu.memory_space<hbm>>
      %dma_start3A_9 = tpu.memref_squeeze %dma_start3A_8 : memref<1x16xf32, #tpu.memory_space<hbm>> -> memref<16xf32, #tpu.memory_space<hbm>>
      tpu.enqueue_dma source(%arg11 : memref<16xf32, #tpu.memory_space<vmem>>) target(%dma_start3A_9 : memref<16xf32, #tpu.memory_space<hbm>>) target_semaphore(%run_scoped3A : memref<!tpu.dma_semaphore, #tpu.memory_space<semaphore_mem>>)
      %dma_wait3A = arith.constant 0 : i32
      %dma_wait3A_10 = tpu.memref_slice %arg6[%add3A, %dma_wait3A] : memref<32x16xf32, #tpu.memory_space<hbm>> -> memref<1x16xf32, #tpu.memory_space<hbm>>
      %dma_wait3A_11 = tpu.memref_squeeze %dma_wait3A_10 : memref<1x16xf32, #tpu.memory_space<hbm>> -> memref<16xf32, #tpu.memory_space<hbm>>
      %dma_wait3A_12 = arith.constant 0 : i32
      %dma_wait3A_13 = tpu.memref_slice %arg6[%add3A, %dma_wait3A_12] : memref<32x16xf32, #tpu.memory_space<hbm>> -> memref<1x16xf32, #tpu.memory_space<hbm>>
      %dma_wait3A_14 = tpu.memref_squeeze %dma_wait3A_13 : memref<1x16xf32, #tpu.memory_space<hbm>> -> memref<16xf32, #tpu.memory_space<hbm>>
      tpu.wait_dma2 semaphore(%run_scoped3A : memref<!tpu.dma_semaphore, #tpu.memory_space<semaphore_mem>>) src(%arg11 : memref<16xf32, #tpu.memory_space<vmem>>) dst(%dma_wait3A_14 : memref<16xf32, #tpu.memory_space<hbm>>)
      tpu.yield
    }) : () -> ()
    return
  }
}

module attributes {stable_mosaic.version = 14 : i64} {
  func.func @_tc_body(%arg0: i32, %arg1: i32, %arg2: memref<1x17x40x80xf32, #tpu.memory_space<vmem>>, %arg3: memref<1x17x2x40x80xf32, #tpu.memory_space<vmem>>, %arg4: memref<1x17x40x80xf32, #tpu.memory_space<vmem>>, %arg5: memref<1x18x40x80xf32, #tpu.memory_space<vmem>>, %arg6: memref<1x17x2x40x80xf32, #tpu.memory_space<vmem>>, %arg7: memref<3xf32, #tpu.memory_space<smem>>) attributes {dimension_semantics = [#tpu.dimension_semantics<arbitrary>, #tpu.dimension_semantics<arbitrary>], iteration_bounds = array<i64: 16, 2>, scalar_prefetch = 0 : i64, scratch_operands = 0 : i64, tpu.core_type = #tpu.core_type<tc>, window_params = [{transform_indices = @transform_0, window_bounds = array<i64: 1, 17, 40, 80>}, {transform_indices = @transform_1, window_bounds = array<i64: 1, 17, 2, 40, 80>}, {transform_indices = @transform_2, window_bounds = array<i64: 1, 17, 40, 80>}, {transform_indices = @transform_3, window_bounds = array<i64: 1, 18, 40, 80>}, {transform_indices = @transform_4, window_bounds = array<i64: 1, 17, 2, 40, 80>}, {transform_indices = @transform_5, window_bounds = array<i64: 3>}]} {
    %mul3A = arith.constant 2 : i32
    %mul3A_0 = arith.muli %arg0, %mul3A : i32
    %add3A = arith.addi %mul3A_0, %arg1 : i32
    %get3A = arith.constant 0 : index
    %get3A_1 = arith.constant 17 : index
    %get3A_2 = arith.constant 0 : index
    %get3A_3 = arith.constant 0 : index
    %get3A_4 = vector.load %arg5[%get3A, %get3A_1, %get3A_2, %get3A_3] : memref<1x18x40x80xf32, #tpu.memory_space<vmem>>, vector<1x1x40x80xf32>
    %get3A_5 = vector.shape_cast %get3A_4 : vector<1x1x40x80xf32> to vector<40x80xf32>
    %get3A_6 = arith.constant 0 : index
    %get3A_7 = arith.constant 0 : index
    %get3A_8 = arith.constant 0 : index
    %get3A_9 = arith.constant 0 : index
    %get3A_10 = vector.load %arg5[%get3A_6, %get3A_7, %get3A_8, %get3A_9] : memref<1x18x40x80xf32, #tpu.memory_space<vmem>>, vector<1x1x40x80xf32>
    %get3A_11 = vector.shape_cast %get3A_10 : vector<1x1x40x80xf32> to vector<40x80xf32>
    %add3A_12 = arith.addf %get3A_5, %get3A_11 : vector<40x80xf32>
    %get3A_13 = arith.constant 0 : index
    %get3A_14 = arith.constant 1 : index
    %get3A_15 = arith.constant 0 : index
    %get3A_16 = arith.constant 0 : index
    %get3A_17 = vector.load %arg5[%get3A_13, %get3A_14, %get3A_15, %get3A_16] : memref<1x18x40x80xf32, #tpu.memory_space<vmem>>, vector<1x1x40x80xf32>
    %get3A_18 = vector.shape_cast %get3A_17 : vector<1x1x40x80xf32> to vector<40x80xf32>
    %add3A_19 = arith.addf %add3A_12, %get3A_18 : vector<40x80xf32>
    %get3A_20 = arith.constant 0 : index
    %get3A_21 = arith.constant 2 : index
    %get3A_22 = arith.constant 0 : index
    %get3A_23 = arith.constant 0 : index
    %get3A_24 = vector.load %arg5[%get3A_20, %get3A_21, %get3A_22, %get3A_23] : memref<1x18x40x80xf32, #tpu.memory_space<vmem>>, vector<1x1x40x80xf32>
    %get3A_25 = vector.shape_cast %get3A_24 : vector<1x1x40x80xf32> to vector<40x80xf32>
    %add3A_26 = arith.addf %add3A_19, %get3A_25 : vector<40x80xf32>
    %get3A_27 = arith.constant 0 : index
    %get3A_28 = arith.constant 3 : index
    %get3A_29 = arith.constant 0 : index
    %get3A_30 = arith.constant 0 : index
    %get3A_31 = vector.load %arg5[%get3A_27, %get3A_28, %get3A_29, %get3A_30] : memref<1x18x40x80xf32, #tpu.memory_space<vmem>>, vector<1x1x40x80xf32>
    %get3A_32 = vector.shape_cast %get3A_31 : vector<1x1x40x80xf32> to vector<40x80xf32>
    %add3A_33 = arith.addf %add3A_26, %get3A_32 : vector<40x80xf32>
    %get3A_34 = arith.constant 0 : index
    %get3A_35 = arith.constant 4 : index
    %get3A_36 = arith.constant 0 : index
    %get3A_37 = arith.constant 0 : index
    %get3A_38 = vector.load %arg5[%get3A_34, %get3A_35, %get3A_36, %get3A_37] : memref<1x18x40x80xf32, #tpu.memory_space<vmem>>, vector<1x1x40x80xf32>
    %get3A_39 = vector.shape_cast %get3A_38 : vector<1x1x40x80xf32> to vector<40x80xf32>
    %add3A_40 = arith.addf %add3A_33, %get3A_39 : vector<40x80xf32>
    %get3A_41 = arith.constant 0 : index
    %get3A_42 = arith.constant 5 : index
    %get3A_43 = arith.constant 0 : index
    %get3A_44 = arith.constant 0 : index
    %get3A_45 = vector.load %arg5[%get3A_41, %get3A_42, %get3A_43, %get3A_44] : memref<1x18x40x80xf32, #tpu.memory_space<vmem>>, vector<1x1x40x80xf32>
    %get3A_46 = vector.shape_cast %get3A_45 : vector<1x1x40x80xf32> to vector<40x80xf32>
    %add3A_47 = arith.addf %add3A_40, %get3A_46 : vector<40x80xf32>
    %get3A_48 = arith.constant 0 : index
    %get3A_49 = arith.constant 6 : index
    %get3A_50 = arith.constant 0 : index
    %get3A_51 = arith.constant 0 : index
    %get3A_52 = vector.load %arg5[%get3A_48, %get3A_49, %get3A_50, %get3A_51] : memref<1x18x40x80xf32, #tpu.memory_space<vmem>>, vector<1x1x40x80xf32>
    %get3A_53 = vector.shape_cast %get3A_52 : vector<1x1x40x80xf32> to vector<40x80xf32>
    %add3A_54 = arith.addf %add3A_47, %get3A_53 : vector<40x80xf32>
    %get3A_55 = arith.constant 0 : index
    %get3A_56 = arith.constant 7 : index
    %get3A_57 = arith.constant 0 : index
    %get3A_58 = arith.constant 0 : index
    %get3A_59 = vector.load %arg5[%get3A_55, %get3A_56, %get3A_57, %get3A_58] : memref<1x18x40x80xf32, #tpu.memory_space<vmem>>, vector<1x1x40x80xf32>
    %get3A_60 = vector.shape_cast %get3A_59 : vector<1x1x40x80xf32> to vector<40x80xf32>
    %add3A_61 = arith.addf %add3A_54, %get3A_60 : vector<40x80xf32>
    %get3A_62 = arith.constant 0 : index
    %get3A_63 = arith.constant 8 : index
    %get3A_64 = arith.constant 0 : index
    %get3A_65 = arith.constant 0 : index
    %get3A_66 = vector.load %arg5[%get3A_62, %get3A_63, %get3A_64, %get3A_65] : memref<1x18x40x80xf32, #tpu.memory_space<vmem>>, vector<1x1x40x80xf32>
    %get3A_67 = vector.shape_cast %get3A_66 : vector<1x1x40x80xf32> to vector<40x80xf32>
    %add3A_68 = arith.addf %add3A_61, %get3A_67 : vector<40x80xf32>
    %get3A_69 = arith.constant 0 : index
    %get3A_70 = arith.constant 9 : index
    %get3A_71 = arith.constant 0 : index
    %get3A_72 = arith.constant 0 : index
    %get3A_73 = vector.load %arg5[%get3A_69, %get3A_70, %get3A_71, %get3A_72] : memref<1x18x40x80xf32, #tpu.memory_space<vmem>>, vector<1x1x40x80xf32>
    %get3A_74 = vector.shape_cast %get3A_73 : vector<1x1x40x80xf32> to vector<40x80xf32>
    %add3A_75 = arith.addf %add3A_68, %get3A_74 : vector<40x80xf32>
    %get3A_76 = arith.constant 0 : index
    %get3A_77 = arith.constant 10 : index
    %get3A_78 = arith.constant 0 : index
    %get3A_79 = arith.constant 0 : index
    %get3A_80 = vector.load %arg5[%get3A_76, %get3A_77, %get3A_78, %get3A_79] : memref<1x18x40x80xf32, #tpu.memory_space<vmem>>, vector<1x1x40x80xf32>
    %get3A_81 = vector.shape_cast %get3A_80 : vector<1x1x40x80xf32> to vector<40x80xf32>
    %add3A_82 = arith.addf %add3A_75, %get3A_81 : vector<40x80xf32>
    %get3A_83 = arith.constant 0 : index
    %get3A_84 = arith.constant 11 : index
    %get3A_85 = arith.constant 0 : index
    %get3A_86 = arith.constant 0 : index
    %get3A_87 = vector.load %arg5[%get3A_83, %get3A_84, %get3A_85, %get3A_86] : memref<1x18x40x80xf32, #tpu.memory_space<vmem>>, vector<1x1x40x80xf32>
    %get3A_88 = vector.shape_cast %get3A_87 : vector<1x1x40x80xf32> to vector<40x80xf32>
    %add3A_89 = arith.addf %add3A_82, %get3A_88 : vector<40x80xf32>
    %get3A_90 = arith.constant 0 : index
    %get3A_91 = arith.constant 12 : index
    %get3A_92 = arith.constant 0 : index
    %get3A_93 = arith.constant 0 : index
    %get3A_94 = vector.load %arg5[%get3A_90, %get3A_91, %get3A_92, %get3A_93] : memref<1x18x40x80xf32, #tpu.memory_space<vmem>>, vector<1x1x40x80xf32>
    %get3A_95 = vector.shape_cast %get3A_94 : vector<1x1x40x80xf32> to vector<40x80xf32>
    %add3A_96 = arith.addf %add3A_89, %get3A_95 : vector<40x80xf32>
    %get3A_97 = arith.constant 0 : index
    %get3A_98 = arith.constant 13 : index
    %get3A_99 = arith.constant 0 : index
    %get3A_100 = arith.constant 0 : index
    %get3A_101 = vector.load %arg5[%get3A_97, %get3A_98, %get3A_99, %get3A_100] : memref<1x18x40x80xf32, #tpu.memory_space<vmem>>, vector<1x1x40x80xf32>
    %get3A_102 = vector.shape_cast %get3A_101 : vector<1x1x40x80xf32> to vector<40x80xf32>
    %add3A_103 = arith.addf %add3A_96, %get3A_102 : vector<40x80xf32>
    %get3A_104 = arith.constant 0 : index
    %get3A_105 = arith.constant 14 : index
    %get3A_106 = arith.constant 0 : index
    %get3A_107 = arith.constant 0 : index
    %get3A_108 = vector.load %arg5[%get3A_104, %get3A_105, %get3A_106, %get3A_107] : memref<1x18x40x80xf32, #tpu.memory_space<vmem>>, vector<1x1x40x80xf32>
    %get3A_109 = vector.shape_cast %get3A_108 : vector<1x1x40x80xf32> to vector<40x80xf32>
    %add3A_110 = arith.addf %add3A_103, %get3A_109 : vector<40x80xf32>
    %get3A_111 = arith.constant 0 : index
    %get3A_112 = arith.constant 15 : index
    %get3A_113 = arith.constant 0 : index
    %get3A_114 = arith.constant 0 : index
    %get3A_115 = vector.load %arg5[%get3A_111, %get3A_112, %get3A_113, %get3A_114] : memref<1x18x40x80xf32, #tpu.memory_space<vmem>>, vector<1x1x40x80xf32>
    %get3A_116 = vector.shape_cast %get3A_115 : vector<1x1x40x80xf32> to vector<40x80xf32>
    %add3A_117 = arith.addf %add3A_110, %get3A_116 : vector<40x80xf32>
    %get3A_118 = arith.constant 0 : index
    %get3A_119 = arith.constant 16 : index
    %get3A_120 = arith.constant 0 : index
    %get3A_121 = arith.constant 0 : index
    %get3A_122 = vector.load %arg5[%get3A_118, %get3A_119, %get3A_120, %get3A_121] : memref<1x18x40x80xf32, #tpu.memory_space<vmem>>, vector<1x1x40x80xf32>
    %get3A_123 = vector.shape_cast %get3A_122 : vector<1x1x40x80xf32> to vector<40x80xf32>
    %add3A_124 = arith.addf %add3A_117, %get3A_123 : vector<40x80xf32>
    %gt3A = arith.constant 5.000000e-01 : f32
    %gt3A_125 = vector.broadcast %gt3A : f32 to vector<40x80xf32>
    %gt3A_126 = arith.cmpf ogt, %add3A_124, %gt3A_125 : vector<40x80xf32>
    %broadcast_in_dim3A = arith.constant 0.000000e+00 : f32
    %broadcast_in_dim3A_127 = vector.broadcast %broadcast_in_dim3A : f32 to vector<40x80xf32>
    %broadcast_in_dim3A_128 = arith.constant 0.000000e+00 : f32
    %broadcast_in_dim3A_129 = vector.broadcast %broadcast_in_dim3A_128 : f32 to vector<40x80xf32>
    %get3A_130 = arith.constant 0 : index
    %get3A_131 = arith.constant 0 : index
    %get3A_132 = arith.constant 0 : index
    %get3A_133 = arith.constant 0 : index
    %get3A_134 = vector.load %arg5[%get3A_130, %get3A_131, %get3A_132, %get3A_133] : memref<1x18x40x80xf32, #tpu.memory_space<vmem>>, vector<1x1x40x80xf32>
    %get3A_135 = vector.shape_cast %get3A_134 : vector<1x1x40x80xf32> to vector<40x80xf32>
    %get3A_136 = arith.constant 0 : index
    %get3A_137 = arith.constant 0 : index
    %get3A_138 = arith.constant 0 : index
    %get3A_139 = arith.constant 0 : index
    %get3A_140 = vector.load %arg2[%get3A_136, %get3A_137, %get3A_138, %get3A_139] : memref<1x17x40x80xf32, #tpu.memory_space<vmem>>, vector<1x1x40x80xf32>
    %get3A_141 = vector.shape_cast %get3A_140 : vector<1x1x40x80xf32> to vector<40x80xf32>
    %max3A = arith.constant 0.000000e+00 : f32
    %max3A_142 = vector.broadcast %max3A : f32 to vector<40x80xf32>
    %max3A_143 = arith.maximumf %get3A_141, %max3A_142 : vector<40x80xf32>
    %mul3A_144 = arith.mulf %get3A_141, %get3A_135 : vector<40x80xf32>
    %sub3A = arith.subf %max3A_143, %mul3A_144 : vector<40x80xf32>
    %abs3A = math.absf %get3A_141 : vector<40x80xf32>
    %neg3A = arith.constant 0.000000e+00 : f32
    %neg3A_145 = vector.broadcast %neg3A : f32 to vector<40x80xf32>
    %neg3A_146 = arith.subf %neg3A_145, %abs3A : vector<40x80xf32>
    %exp3A = math.exp %neg3A_146 : vector<40x80xf32>
    %log1p3A = math.log1p %exp3A : vector<40x80xf32>
    %add3A_147 = arith.addf %sub3A, %log1p3A : vector<40x80xf32>
    %add3A_148 = arith.addf %broadcast_in_dim3A_127, %add3A_147 : vector<40x80xf32>
    %gt3A_149 = arith.constant 5.000000e-01 : f32
    %gt3A_150 = vector.broadcast %gt3A_149 : f32 to vector<40x80xf32>
    %gt3A_151 = arith.cmpf ogt, %get3A_135, %gt3A_150 : vector<40x80xf32>
    %get3A_152 = arith.constant 0 : index
    %get3A_153 = arith.constant 0 : index
    %get3A_154 = arith.constant 0 : index
    %get3A_155 = arith.constant 0 : index
    %get3A_156 = arith.constant 0 : index
    %get3A_157 = vector.load %arg3[%get3A_152, %get3A_153, %get3A_154, %get3A_155, %get3A_156] : memref<1x17x2x40x80xf32, #tpu.memory_space<vmem>>, vector<1x1x1x40x80xf32>
    %get3A_158 = vector.shape_cast %get3A_157 : vector<1x1x1x40x80xf32> to vector<40x80xf32>
    %get3A_159 = arith.constant 0 : index
    %get3A_160 = arith.constant 0 : index
    %get3A_161 = arith.constant 0 : index
    %get3A_162 = arith.constant 0 : index
    %get3A_163 = arith.constant 0 : index
    %get3A_164 = vector.load %arg6[%get3A_159, %get3A_160, %get3A_161, %get3A_162, %get3A_163] : memref<1x17x2x40x80xf32, #tpu.memory_space<vmem>>, vector<1x1x1x40x80xf32>
    %get3A_165 = vector.shape_cast %get3A_164 : vector<1x1x1x40x80xf32> to vector<40x80xf32>
    %sub3A_166 = arith.subf %get3A_158, %get3A_165 : vector<40x80xf32>
    %integer_pow3A = arith.mulf %sub3A_166, %sub3A_166 : vector<40x80xf32>
    %get3A_167 = arith.constant 0 : index
    %get3A_168 = arith.constant 0 : index
    %get3A_169 = arith.constant 1 : index
    %get3A_170 = arith.constant 0 : index
    %get3A_171 = arith.constant 0 : index
    %get3A_172 = vector.load %arg3[%get3A_167, %get3A_168, %get3A_169, %get3A_170, %get3A_171] : memref<1x17x2x40x80xf32, #tpu.memory_space<vmem>>, vector<1x1x1x40x80xf32>
    %get3A_173 = vector.shape_cast %get3A_172 : vector<1x1x1x40x80xf32> to vector<40x80xf32>
    %get3A_174 = arith.constant 0 : index
    %get3A_175 = arith.constant 0 : index
    %get3A_176 = arith.constant 1 : index
    %get3A_177 = arith.constant 0 : index
    %get3A_178 = arith.constant 0 : index
    %get3A_179 = vector.load %arg6[%get3A_174, %get3A_175, %get3A_176, %get3A_177, %get3A_178] : memref<1x17x2x40x80xf32, #tpu.memory_space<vmem>>, vector<1x1x1x40x80xf32>
    %get3A_180 = vector.shape_cast %get3A_179 : vector<1x1x1x40x80xf32> to vector<40x80xf32>
    %sub3A_181 = arith.subf %get3A_173, %get3A_180 : vector<40x80xf32>
    %integer_pow3A_182 = arith.mulf %sub3A_181, %sub3A_181 : vector<40x80xf32>
    %add3A_183 = arith.addf %integer_pow3A, %integer_pow3A_182 : vector<40x80xf32>
    %jit3A = arith.constant 1.000000e+00 : f32
    %broadcast_in_dim3A_184 = vector.broadcast %jit3A : f32 to vector<40x80xf32>
    %select_n3A = arith.select %gt3A_151, %add3A_183, %broadcast_in_dim3A_184 : vector<40x80xi1>, vector<40x80xf32>
    %sqrt3A = math.sqrt %select_n3A : vector<40x80xf32>
    %get3A_185 = arith.constant 0 : index
    %get3A_186 = arith.constant 0 : index
    %get3A_187 = arith.constant 0 : index
    %get3A_188 = arith.constant 0 : index
    %get3A_189 = vector.load %arg4[%get3A_185, %get3A_186, %get3A_187, %get3A_188] : memref<1x17x40x80xf32, #tpu.memory_space<vmem>>, vector<1x1x40x80xf32>
    %get3A_190 = vector.shape_cast %get3A_189 : vector<1x1x40x80xf32> to vector<40x80xf32>
    %add3A_191 = arith.constant 6.940000e-01 : f32
    %add3A_192 = vector.broadcast %add3A_191 : f32 to vector<40x80xf32>
    %add3A_193 = arith.addf %add3A_192, %get3A_190 : vector<40x80xf32>
    %neg3A_194 = arith.constant 0.000000e+00 : f32
    %neg3A_195 = vector.broadcast %neg3A_194 : f32 to vector<40x80xf32>
    %neg3A_196 = arith.subf %neg3A_195, %get3A_190 : vector<40x80xf32>
    %exp3A_197 = math.exp %neg3A_196 : vector<40x80xf32>
    %mul3A_198 = arith.mulf %sqrt3A, %exp3A_197 : vector<40x80xf32>
    %add3A_199 = arith.addf %add3A_193, %mul3A_198 : vector<40x80xf32>
    %jit3A_200 = arith.constant 0.000000e+00 : f32
    %broadcast_in_dim3A_201 = vector.broadcast %jit3A_200 : f32 to vector<40x80xf32>
    %select_n3A_202 = arith.select %gt3A_151, %add3A_199, %broadcast_in_dim3A_201 : vector<40x80xi1>, vector<40x80xf32>
    %add3A_203 = arith.addf %broadcast_in_dim3A_129, %select_n3A_202 : vector<40x80xf32>
    %get3A_204 = arith.constant 0 : index
    %get3A_205 = arith.constant 1 : index
    %get3A_206 = arith.constant 0 : index
    %get3A_207 = arith.constant 0 : index
    %get3A_208 = vector.load %arg5[%get3A_204, %get3A_205, %get3A_206, %get3A_207] : memref<1x18x40x80xf32, #tpu.memory_space<vmem>>, vector<1x1x40x80xf32>
    %get3A_209 = vector.shape_cast %get3A_208 : vector<1x1x40x80xf32> to vector<40x80xf32>
    %get3A_210 = arith.constant 0 : index
    %get3A_211 = arith.constant 1 : index
    %get3A_212 = arith.constant 0 : index
    %get3A_213 = arith.constant 0 : index
    %get3A_214 = vector.load %arg2[%get3A_210, %get3A_211, %get3A_212, %get3A_213] : memref<1x17x40x80xf32, #tpu.memory_space<vmem>>, vector<1x1x40x80xf32>
    %get3A_215 = vector.shape_cast %get3A_214 : vector<1x1x40x80xf32> to vector<40x80xf32>
    %max3A_216 = arith.constant 0.000000e+00 : f32
    %max3A_217 = vector.broadcast %max3A_216 : f32 to vector<40x80xf32>
    %max3A_218 = arith.maximumf %get3A_215, %max3A_217 : vector<40x80xf32>
    %mul3A_219 = arith.mulf %get3A_215, %get3A_209 : vector<40x80xf32>
    %sub3A_220 = arith.subf %max3A_218, %mul3A_219 : vector<40x80xf32>
    %abs3A_221 = math.absf %get3A_215 : vector<40x80xf32>
    %neg3A_222 = arith.constant 0.000000e+00 : f32
    %neg3A_223 = vector.broadcast %neg3A_222 : f32 to vector<40x80xf32>
    %neg3A_224 = arith.subf %neg3A_223, %abs3A_221 : vector<40x80xf32>
    %exp3A_225 = math.exp %neg3A_224 : vector<40x80xf32>
    %log1p3A_226 = math.log1p %exp3A_225 : vector<40x80xf32>
    %add3A_227 = arith.addf %sub3A_220, %log1p3A_226 : vector<40x80xf32>
    %add3A_228 = arith.addf %add3A_148, %add3A_227 : vector<40x80xf32>
    %gt3A_229 = arith.constant 5.000000e-01 : f32
    %gt3A_230 = vector.broadcast %gt3A_229 : f32 to vector<40x80xf32>
    %gt3A_231 = arith.cmpf ogt, %get3A_209, %gt3A_230 : vector<40x80xf32>
    %get3A_232 = arith.constant 0 : index
    %get3A_233 = arith.constant 1 : index
    %get3A_234 = arith.constant 0 : index
    %get3A_235 = arith.constant 0 : index
    %get3A_236 = arith.constant 0 : index
    %get3A_237 = vector.load %arg3[%get3A_232, %get3A_233, %get3A_234, %get3A_235, %get3A_236] : memref<1x17x2x40x80xf32, #tpu.memory_space<vmem>>, vector<1x1x1x40x80xf32>
    %get3A_238 = vector.shape_cast %get3A_237 : vector<1x1x1x40x80xf32> to vector<40x80xf32>
    %get3A_239 = arith.constant 0 : index
    %get3A_240 = arith.constant 1 : index
    %get3A_241 = arith.constant 0 : index
    %get3A_242 = arith.constant 0 : index
    %get3A_243 = arith.constant 0 : index
    %get3A_244 = vector.load %arg6[%get3A_239, %get3A_240, %get3A_241, %get3A_242, %get3A_243] : memref<1x17x2x40x80xf32, #tpu.memory_space<vmem>>, vector<1x1x1x40x80xf32>
    %get3A_245 = vector.shape_cast %get3A_244 : vector<1x1x1x40x80xf32> to vector<40x80xf32>
    %sub3A_246 = arith.subf %get3A_238, %get3A_245 : vector<40x80xf32>
    %integer_pow3A_247 = arith.mulf %sub3A_246, %sub3A_246 : vector<40x80xf32>
    %get3A_248 = arith.constant 0 : index
    %get3A_249 = arith.constant 1 : index
    %get3A_250 = arith.constant 1 : index
    %get3A_251 = arith.constant 0 : index
    %get3A_252 = arith.constant 0 : index
    %get3A_253 = vector.load %arg3[%get3A_248, %get3A_249, %get3A_250, %get3A_251, %get3A_252] : memref<1x17x2x40x80xf32, #tpu.memory_space<vmem>>, vector<1x1x1x40x80xf32>
    %get3A_254 = vector.shape_cast %get3A_253 : vector<1x1x1x40x80xf32> to vector<40x80xf32>
    %get3A_255 = arith.constant 0 : index
    %get3A_256 = arith.constant 1 : index
    %get3A_257 = arith.constant 1 : index
    %get3A_258 = arith.constant 0 : index
    %get3A_259 = arith.constant 0 : index
    %get3A_260 = vector.load %arg6[%get3A_255, %get3A_256, %get3A_257, %get3A_258, %get3A_259] : memref<1x17x2x40x80xf32, #tpu.memory_space<vmem>>, vector<1x1x1x40x80xf32>
    %get3A_261 = vector.shape_cast %get3A_260 : vector<1x1x1x40x80xf32> to vector<40x80xf32>
    %sub3A_262 = arith.subf %get3A_254, %get3A_261 : vector<40x80xf32>
    %integer_pow3A_263 = arith.mulf %sub3A_262, %sub3A_262 : vector<40x80xf32>
    %add3A_264 = arith.addf %integer_pow3A_247, %integer_pow3A_263 : vector<40x80xf32>
    %jit3A_265 = arith.constant 1.000000e+00 : f32
    %broadcast_in_dim3A_266 = vector.broadcast %jit3A_265 : f32 to vector<40x80xf32>
    %select_n3A_267 = arith.select %gt3A_231, %add3A_264, %broadcast_in_dim3A_266 : vector<40x80xi1>, vector<40x80xf32>
    %sqrt3A_268 = math.sqrt %select_n3A_267 : vector<40x80xf32>
    %get3A_269 = arith.constant 0 : index
    %get3A_270 = arith.constant 1 : index
    %get3A_271 = arith.constant 0 : index
    %get3A_272 = arith.constant 0 : index
    %get3A_273 = vector.load %arg4[%get3A_269, %get3A_270, %get3A_271, %get3A_272] : memref<1x17x40x80xf32, #tpu.memory_space<vmem>>, vector<1x1x40x80xf32>
    %get3A_274 = vector.shape_cast %get3A_273 : vector<1x1x40x80xf32> to vector<40x80xf32>
    %add3A_275 = arith.constant 6.940000e-01 : f32
    %add3A_276 = vector.broadcast %add3A_275 : f32 to vector<40x80xf32>
    %add3A_277 = arith.addf %add3A_276, %get3A_274 : vector<40x80xf32>
    %neg3A_278 = arith.constant 0.000000e+00 : f32
    %neg3A_279 = vector.broadcast %neg3A_278 : f32 to vector<40x80xf32>
    %neg3A_280 = arith.subf %neg3A_279, %get3A_274 : vector<40x80xf32>
    %exp3A_281 = math.exp %neg3A_280 : vector<40x80xf32>
    %mul3A_282 = arith.mulf %sqrt3A_268, %exp3A_281 : vector<40x80xf32>
    %add3A_283 = arith.addf %add3A_277, %mul3A_282 : vector<40x80xf32>
    %jit3A_284 = arith.constant 0.000000e+00 : f32
    %broadcast_in_dim3A_285 = vector.broadcast %jit3A_284 : f32 to vector<40x80xf32>
    %select_n3A_286 = arith.select %gt3A_231, %add3A_283, %broadcast_in_dim3A_285 : vector<40x80xi1>, vector<40x80xf32>
    %add3A_287 = arith.addf %add3A_203, %select_n3A_286 : vector<40x80xf32>
    %get3A_288 = arith.constant 0 : index
    %get3A_289 = arith.constant 2 : index
    %get3A_290 = arith.constant 0 : index
    %get3A_291 = arith.constant 0 : index
    %get3A_292 = vector.load %arg5[%get3A_288, %get3A_289, %get3A_290, %get3A_291] : memref<1x18x40x80xf32, #tpu.memory_space<vmem>>, vector<1x1x40x80xf32>
    %get3A_293 = vector.shape_cast %get3A_292 : vector<1x1x40x80xf32> to vector<40x80xf32>
    %get3A_294 = arith.constant 0 : index
    %get3A_295 = arith.constant 2 : index
    %get3A_296 = arith.constant 0 : index
    %get3A_297 = arith.constant 0 : index
    %get3A_298 = vector.load %arg2[%get3A_294, %get3A_295, %get3A_296, %get3A_297] : memref<1x17x40x80xf32, #tpu.memory_space<vmem>>, vector<1x1x40x80xf32>
    %get3A_299 = vector.shape_cast %get3A_298 : vector<1x1x40x80xf32> to vector<40x80xf32>
    %max3A_300 = arith.constant 0.000000e+00 : f32
    %max3A_301 = vector.broadcast %max3A_300 : f32 to vector<40x80xf32>
    %max3A_302 = arith.maximumf %get3A_299, %max3A_301 : vector<40x80xf32>
    %mul3A_303 = arith.mulf %get3A_299, %get3A_293 : vector<40x80xf32>
    %sub3A_304 = arith.subf %max3A_302, %mul3A_303 : vector<40x80xf32>
    %abs3A_305 = math.absf %get3A_299 : vector<40x80xf32>
    %neg3A_306 = arith.constant 0.000000e+00 : f32
    %neg3A_307 = vector.broadcast %neg3A_306 : f32 to vector<40x80xf32>
    %neg3A_308 = arith.subf %neg3A_307, %abs3A_305 : vector<40x80xf32>
    %exp3A_309 = math.exp %neg3A_308 : vector<40x80xf32>
    %log1p3A_310 = math.log1p %exp3A_309 : vector<40x80xf32>
    %add3A_311 = arith.addf %sub3A_304, %log1p3A_310 : vector<40x80xf32>
    %add3A_312 = arith.addf %add3A_228, %add3A_311 : vector<40x80xf32>
    %gt3A_313 = arith.constant 5.000000e-01 : f32
    %gt3A_314 = vector.broadcast %gt3A_313 : f32 to vector<40x80xf32>
    %gt3A_315 = arith.cmpf ogt, %get3A_293, %gt3A_314 : vector<40x80xf32>
    %get3A_316 = arith.constant 0 : index
    %get3A_317 = arith.constant 2 : index
    %get3A_318 = arith.constant 0 : index
    %get3A_319 = arith.constant 0 : index
    %get3A_320 = arith.constant 0 : index
    %get3A_321 = vector.load %arg3[%get3A_316, %get3A_317, %get3A_318, %get3A_319, %get3A_320] : memref<1x17x2x40x80xf32, #tpu.memory_space<vmem>>, vector<1x1x1x40x80xf32>
    %get3A_322 = vector.shape_cast %get3A_321 : vector<1x1x1x40x80xf32> to vector<40x80xf32>
    %get3A_323 = arith.constant 0 : index
    %get3A_324 = arith.constant 2 : index
    %get3A_325 = arith.constant 0 : index
    %get3A_326 = arith.constant 0 : index
    %get3A_327 = arith.constant 0 : index
    %get3A_328 = vector.load %arg6[%get3A_323, %get3A_324, %get3A_325, %get3A_326, %get3A_327] : memref<1x17x2x40x80xf32, #tpu.memory_space<vmem>>, vector<1x1x1x40x80xf32>
    %get3A_329 = vector.shape_cast %get3A_328 : vector<1x1x1x40x80xf32> to vector<40x80xf32>
    %sub3A_330 = arith.subf %get3A_322, %get3A_329 : vector<40x80xf32>
    %integer_pow3A_331 = arith.mulf %sub3A_330, %sub3A_330 : vector<40x80xf32>
    %get3A_332 = arith.constant 0 : index
    %get3A_333 = arith.constant 2 : index
    %get3A_334 = arith.constant 1 : index
    %get3A_335 = arith.constant 0 : index
    %get3A_336 = arith.constant 0 : index
    %get3A_337 = vector.load %arg3[%get3A_332, %get3A_333, %get3A_334, %get3A_335, %get3A_336] : memref<1x17x2x40x80xf32, #tpu.memory_space<vmem>>, vector<1x1x1x40x80xf32>
    %get3A_338 = vector.shape_cast %get3A_337 : vector<1x1x1x40x80xf32> to vector<40x80xf32>
    %get3A_339 = arith.constant 0 : index
    %get3A_340 = arith.constant 2 : index
    %get3A_341 = arith.constant 1 : index
    %get3A_342 = arith.constant 0 : index
    %get3A_343 = arith.constant 0 : index
    %get3A_344 = vector.load %arg6[%get3A_339, %get3A_340, %get3A_341, %get3A_342, %get3A_343] : memref<1x17x2x40x80xf32, #tpu.memory_space<vmem>>, vector<1x1x1x40x80xf32>
    %get3A_345 = vector.shape_cast %get3A_344 : vector<1x1x1x40x80xf32> to vector<40x80xf32>
    %sub3A_346 = arith.subf %get3A_338, %get3A_345 : vector<40x80xf32>
    %integer_pow3A_347 = arith.mulf %sub3A_346, %sub3A_346 : vector<40x80xf32>
    %add3A_348 = arith.addf %integer_pow3A_331, %integer_pow3A_347 : vector<40x80xf32>
    %jit3A_349 = arith.constant 1.000000e+00 : f32
    %broadcast_in_dim3A_350 = vector.broadcast %jit3A_349 : f32 to vector<40x80xf32>
    %select_n3A_351 = arith.select %gt3A_315, %add3A_348, %broadcast_in_dim3A_350 : vector<40x80xi1>, vector<40x80xf32>
    %sqrt3A_352 = math.sqrt %select_n3A_351 : vector<40x80xf32>
    %get3A_353 = arith.constant 0 : index
    %get3A_354 = arith.constant 2 : index
    %get3A_355 = arith.constant 0 : index
    %get3A_356 = arith.constant 0 : index
    %get3A_357 = vector.load %arg4[%get3A_353, %get3A_354, %get3A_355, %get3A_356] : memref<1x17x40x80xf32, #tpu.memory_space<vmem>>, vector<1x1x40x80xf32>
    %get3A_358 = vector.shape_cast %get3A_357 : vector<1x1x40x80xf32> to vector<40x80xf32>
    %add3A_359 = arith.constant 6.940000e-01 : f32
    %add3A_360 = vector.broadcast %add3A_359 : f32 to vector<40x80xf32>
    %add3A_361 = arith.addf %add3A_360, %get3A_358 : vector<40x80xf32>
    %neg3A_362 = arith.constant 0.000000e+00 : f32
    %neg3A_363 = vector.broadcast %neg3A_362 : f32 to vector<40x80xf32>
    %neg3A_364 = arith.subf %neg3A_363, %get3A_358 : vector<40x80xf32>
    %exp3A_365 = math.exp %neg3A_364 : vector<40x80xf32>
    %mul3A_366 = arith.mulf %sqrt3A_352, %exp3A_365 : vector<40x80xf32>
    %add3A_367 = arith.addf %add3A_361, %mul3A_366 : vector<40x80xf32>
    %jit3A_368 = arith.constant 0.000000e+00 : f32
    %broadcast_in_dim3A_369 = vector.broadcast %jit3A_368 : f32 to vector<40x80xf32>
    %select_n3A_370 = arith.select %gt3A_315, %add3A_367, %broadcast_in_dim3A_369 : vector<40x80xi1>, vector<40x80xf32>
    %add3A_371 = arith.addf %add3A_287, %select_n3A_370 : vector<40x80xf32>
    %get3A_372 = arith.constant 0 : index
    %get3A_373 = arith.constant 3 : index
    %get3A_374 = arith.constant 0 : index
    %get3A_375 = arith.constant 0 : index
    %get3A_376 = vector.load %arg5[%get3A_372, %get3A_373, %get3A_374, %get3A_375] : memref<1x18x40x80xf32, #tpu.memory_space<vmem>>, vector<1x1x40x80xf32>
    %get3A_377 = vector.shape_cast %get3A_376 : vector<1x1x40x80xf32> to vector<40x80xf32>
    %get3A_378 = arith.constant 0 : index
    %get3A_379 = arith.constant 3 : index
    %get3A_380 = arith.constant 0 : index
    %get3A_381 = arith.constant 0 : index
    %get3A_382 = vector.load %arg2[%get3A_378, %get3A_379, %get3A_380, %get3A_381] : memref<1x17x40x80xf32, #tpu.memory_space<vmem>>, vector<1x1x40x80xf32>
    %get3A_383 = vector.shape_cast %get3A_382 : vector<1x1x40x80xf32> to vector<40x80xf32>
    %max3A_384 = arith.constant 0.000000e+00 : f32
    %max3A_385 = vector.broadcast %max3A_384 : f32 to vector<40x80xf32>
    %max3A_386 = arith.maximumf %get3A_383, %max3A_385 : vector<40x80xf32>
    %mul3A_387 = arith.mulf %get3A_383, %get3A_377 : vector<40x80xf32>
    %sub3A_388 = arith.subf %max3A_386, %mul3A_387 : vector<40x80xf32>
    %abs3A_389 = math.absf %get3A_383 : vector<40x80xf32>
    %neg3A_390 = arith.constant 0.000000e+00 : f32
    %neg3A_391 = vector.broadcast %neg3A_390 : f32 to vector<40x80xf32>
    %neg3A_392 = arith.subf %neg3A_391, %abs3A_389 : vector<40x80xf32>
    %exp3A_393 = math.exp %neg3A_392 : vector<40x80xf32>
    %log1p3A_394 = math.log1p %exp3A_393 : vector<40x80xf32>
    %add3A_395 = arith.addf %sub3A_388, %log1p3A_394 : vector<40x80xf32>
    %add3A_396 = arith.addf %add3A_312, %add3A_395 : vector<40x80xf32>
    %gt3A_397 = arith.constant 5.000000e-01 : f32
    %gt3A_398 = vector.broadcast %gt3A_397 : f32 to vector<40x80xf32>
    %gt3A_399 = arith.cmpf ogt, %get3A_377, %gt3A_398 : vector<40x80xf32>
    %get3A_400 = arith.constant 0 : index
    %get3A_401 = arith.constant 3 : index
    %get3A_402 = arith.constant 0 : index
    %get3A_403 = arith.constant 0 : index
    %get3A_404 = arith.constant 0 : index
    %get3A_405 = vector.load %arg3[%get3A_400, %get3A_401, %get3A_402, %get3A_403, %get3A_404] : memref<1x17x2x40x80xf32, #tpu.memory_space<vmem>>, vector<1x1x1x40x80xf32>
    %get3A_406 = vector.shape_cast %get3A_405 : vector<1x1x1x40x80xf32> to vector<40x80xf32>
    %get3A_407 = arith.constant 0 : index
    %get3A_408 = arith.constant 3 : index
    %get3A_409 = arith.constant 0 : index
    %get3A_410 = arith.constant 0 : index
    %get3A_411 = arith.constant 0 : index
    %get3A_412 = vector.load %arg6[%get3A_407, %get3A_408, %get3A_409, %get3A_410, %get3A_411] : memref<1x17x2x40x80xf32, #tpu.memory_space<vmem>>, vector<1x1x1x40x80xf32>
    %get3A_413 = vector.shape_cast %get3A_412 : vector<1x1x1x40x80xf32> to vector<40x80xf32>
    %sub3A_414 = arith.subf %get3A_406, %get3A_413 : vector<40x80xf32>
    %integer_pow3A_415 = arith.mulf %sub3A_414, %sub3A_414 : vector<40x80xf32>
    %get3A_416 = arith.constant 0 : index
    %get3A_417 = arith.constant 3 : index
    %get3A_418 = arith.constant 1 : index
    %get3A_419 = arith.constant 0 : index
    %get3A_420 = arith.constant 0 : index
    %get3A_421 = vector.load %arg3[%get3A_416, %get3A_417, %get3A_418, %get3A_419, %get3A_420] : memref<1x17x2x40x80xf32, #tpu.memory_space<vmem>>, vector<1x1x1x40x80xf32>
    %get3A_422 = vector.shape_cast %get3A_421 : vector<1x1x1x40x80xf32> to vector<40x80xf32>
    %get3A_423 = arith.constant 0 : index
    %get3A_424 = arith.constant 3 : index
    %get3A_425 = arith.constant 1 : index
    %get3A_426 = arith.constant 0 : index
    %get3A_427 = arith.constant 0 : index
    %get3A_428 = vector.load %arg6[%get3A_423, %get3A_424, %get3A_425, %get3A_426, %get3A_427] : memref<1x17x2x40x80xf32, #tpu.memory_space<vmem>>, vector<1x1x1x40x80xf32>
    %get3A_429 = vector.shape_cast %get3A_428 : vector<1x1x1x40x80xf32> to vector<40x80xf32>
    %sub3A_430 = arith.subf %get3A_422, %get3A_429 : vector<40x80xf32>
    %integer_pow3A_431 = arith.mulf %sub3A_430, %sub3A_430 : vector<40x80xf32>
    %add3A_432 = arith.addf %integer_pow3A_415, %integer_pow3A_431 : vector<40x80xf32>
    %jit3A_433 = arith.constant 1.000000e+00 : f32
    %broadcast_in_dim3A_434 = vector.broadcast %jit3A_433 : f32 to vector<40x80xf32>
    %select_n3A_435 = arith.select %gt3A_399, %add3A_432, %broadcast_in_dim3A_434 : vector<40x80xi1>, vector<40x80xf32>
    %sqrt3A_436 = math.sqrt %select_n3A_435 : vector<40x80xf32>
    %get3A_437 = arith.constant 0 : index
    %get3A_438 = arith.constant 3 : index
    %get3A_439 = arith.constant 0 : index
    %get3A_440 = arith.constant 0 : index
    %get3A_441 = vector.load %arg4[%get3A_437, %get3A_438, %get3A_439, %get3A_440] : memref<1x17x40x80xf32, #tpu.memory_space<vmem>>, vector<1x1x40x80xf32>
    %get3A_442 = vector.shape_cast %get3A_441 : vector<1x1x40x80xf32> to vector<40x80xf32>
    %add3A_443 = arith.constant 6.940000e-01 : f32
    %add3A_444 = vector.broadcast %add3A_443 : f32 to vector<40x80xf32>
    %add3A_445 = arith.addf %add3A_444, %get3A_442 : vector<40x80xf32>
    %neg3A_446 = arith.constant 0.000000e+00 : f32
    %neg3A_447 = vector.broadcast %neg3A_446 : f32 to vector<40x80xf32>
    %neg3A_448 = arith.subf %neg3A_447, %get3A_442 : vector<40x80xf32>
    %exp3A_449 = math.exp %neg3A_448 : vector<40x80xf32>
    %mul3A_450 = arith.mulf %sqrt3A_436, %exp3A_449 : vector<40x80xf32>
    %add3A_451 = arith.addf %add3A_445, %mul3A_450 : vector<40x80xf32>
    %jit3A_452 = arith.constant 0.000000e+00 : f32
    %broadcast_in_dim3A_453 = vector.broadcast %jit3A_452 : f32 to vector<40x80xf32>
    %select_n3A_454 = arith.select %gt3A_399, %add3A_451, %broadcast_in_dim3A_453 : vector<40x80xi1>, vector<40x80xf32>
    %add3A_455 = arith.addf %add3A_371, %select_n3A_454 : vector<40x80xf32>
    %get3A_456 = arith.constant 0 : index
    %get3A_457 = arith.constant 4 : index
    %get3A_458 = arith.constant 0 : index
    %get3A_459 = arith.constant 0 : index
    %get3A_460 = vector.load %arg5[%get3A_456, %get3A_457, %get3A_458, %get3A_459] : memref<1x18x40x80xf32, #tpu.memory_space<vmem>>, vector<1x1x40x80xf32>
    %get3A_461 = vector.shape_cast %get3A_460 : vector<1x1x40x80xf32> to vector<40x80xf32>
    %get3A_462 = arith.constant 0 : index
    %get3A_463 = arith.constant 4 : index
    %get3A_464 = arith.constant 0 : index
    %get3A_465 = arith.constant 0 : index
    %get3A_466 = vector.load %arg2[%get3A_462, %get3A_463, %get3A_464, %get3A_465] : memref<1x17x40x80xf32, #tpu.memory_space<vmem>>, vector<1x1x40x80xf32>
    %get3A_467 = vector.shape_cast %get3A_466 : vector<1x1x40x80xf32> to vector<40x80xf32>
    %max3A_468 = arith.constant 0.000000e+00 : f32
    %max3A_469 = vector.broadcast %max3A_468 : f32 to vector<40x80xf32>
    %max3A_470 = arith.maximumf %get3A_467, %max3A_469 : vector<40x80xf32>
    %mul3A_471 = arith.mulf %get3A_467, %get3A_461 : vector<40x80xf32>
    %sub3A_472 = arith.subf %max3A_470, %mul3A_471 : vector<40x80xf32>
    %abs3A_473 = math.absf %get3A_467 : vector<40x80xf32>
    %neg3A_474 = arith.constant 0.000000e+00 : f32
    %neg3A_475 = vector.broadcast %neg3A_474 : f32 to vector<40x80xf32>
    %neg3A_476 = arith.subf %neg3A_475, %abs3A_473 : vector<40x80xf32>
    %exp3A_477 = math.exp %neg3A_476 : vector<40x80xf32>
    %log1p3A_478 = math.log1p %exp3A_477 : vector<40x80xf32>
    %add3A_479 = arith.addf %sub3A_472, %log1p3A_478 : vector<40x80xf32>
    %add3A_480 = arith.addf %add3A_396, %add3A_479 : vector<40x80xf32>
    %gt3A_481 = arith.constant 5.000000e-01 : f32
    %gt3A_482 = vector.broadcast %gt3A_481 : f32 to vector<40x80xf32>
    %gt3A_483 = arith.cmpf ogt, %get3A_461, %gt3A_482 : vector<40x80xf32>
    %get3A_484 = arith.constant 0 : index
    %get3A_485 = arith.constant 4 : index
    %get3A_486 = arith.constant 0 : index
    %get3A_487 = arith.constant 0 : index
    %get3A_488 = arith.constant 0 : index
    %get3A_489 = vector.load %arg3[%get3A_484, %get3A_485, %get3A_486, %get3A_487, %get3A_488] : memref<1x17x2x40x80xf32, #tpu.memory_space<vmem>>, vector<1x1x1x40x80xf32>
    %get3A_490 = vector.shape_cast %get3A_489 : vector<1x1x1x40x80xf32> to vector<40x80xf32>
    %get3A_491 = arith.constant 0 : index
    %get3A_492 = arith.constant 4 : index
    %get3A_493 = arith.constant 0 : index
    %get3A_494 = arith.constant 0 : index
    %get3A_495 = arith.constant 0 : index
    %get3A_496 = vector.load %arg6[%get3A_491, %get3A_492, %get3A_493, %get3A_494, %get3A_495] : memref<1x17x2x40x80xf32, #tpu.memory_space<vmem>>, vector<1x1x1x40x80xf32>
    %get3A_497 = vector.shape_cast %get3A_496 : vector<1x1x1x40x80xf32> to vector<40x80xf32>
    %sub3A_498 = arith.subf %get3A_490, %get3A_497 : vector<40x80xf32>
    %integer_pow3A_499 = arith.mulf %sub3A_498, %sub3A_498 : vector<40x80xf32>
    %get3A_500 = arith.constant 0 : index
    %get3A_501 = arith.constant 4 : index
    %get3A_502 = arith.constant 1 : index
    %get3A_503 = arith.constant 0 : index
    %get3A_504 = arith.constant 0 : index
    %get3A_505 = vector.load %arg3[%get3A_500, %get3A_501, %get3A_502, %get3A_503, %get3A_504] : memref<1x17x2x40x80xf32, #tpu.memory_space<vmem>>, vector<1x1x1x40x80xf32>
    %get3A_506 = vector.shape_cast %get3A_505 : vector<1x1x1x40x80xf32> to vector<40x80xf32>
    %get3A_507 = arith.constant 0 : index
    %get3A_508 = arith.constant 4 : index
    %get3A_509 = arith.constant 1 : index
    %get3A_510 = arith.constant 0 : index
    %get3A_511 = arith.constant 0 : index
    %get3A_512 = vector.load %arg6[%get3A_507, %get3A_508, %get3A_509, %get3A_510, %get3A_511] : memref<1x17x2x40x80xf32, #tpu.memory_space<vmem>>, vector<1x1x1x40x80xf32>
    %get3A_513 = vector.shape_cast %get3A_512 : vector<1x1x1x40x80xf32> to vector<40x80xf32>
    %sub3A_514 = arith.subf %get3A_506, %get3A_513 : vector<40x80xf32>
    %integer_pow3A_515 = arith.mulf %sub3A_514, %sub3A_514 : vector<40x80xf32>
    %add3A_516 = arith.addf %integer_pow3A_499, %integer_pow3A_515 : vector<40x80xf32>
    %jit3A_517 = arith.constant 1.000000e+00 : f32
    %broadcast_in_dim3A_518 = vector.broadcast %jit3A_517 : f32 to vector<40x80xf32>
    %select_n3A_519 = arith.select %gt3A_483, %add3A_516, %broadcast_in_dim3A_518 : vector<40x80xi1>, vector<40x80xf32>
    %sqrt3A_520 = math.sqrt %select_n3A_519 : vector<40x80xf32>
    %get3A_521 = arith.constant 0 : index
    %get3A_522 = arith.constant 4 : index
    %get3A_523 = arith.constant 0 : index
    %get3A_524 = arith.constant 0 : index
    %get3A_525 = vector.load %arg4[%get3A_521, %get3A_522, %get3A_523, %get3A_524] : memref<1x17x40x80xf32, #tpu.memory_space<vmem>>, vector<1x1x40x80xf32>
    %get3A_526 = vector.shape_cast %get3A_525 : vector<1x1x40x80xf32> to vector<40x80xf32>
    %add3A_527 = arith.constant 6.940000e-01 : f32
    %add3A_528 = vector.broadcast %add3A_527 : f32 to vector<40x80xf32>
    %add3A_529 = arith.addf %add3A_528, %get3A_526 : vector<40x80xf32>
    %neg3A_530 = arith.constant 0.000000e+00 : f32
    %neg3A_531 = vector.broadcast %neg3A_530 : f32 to vector<40x80xf32>
    %neg3A_532 = arith.subf %neg3A_531, %get3A_526 : vector<40x80xf32>
    %exp3A_533 = math.exp %neg3A_532 : vector<40x80xf32>
    %mul3A_534 = arith.mulf %sqrt3A_520, %exp3A_533 : vector<40x80xf32>
    %add3A_535 = arith.addf %add3A_529, %mul3A_534 : vector<40x80xf32>
    %jit3A_536 = arith.constant 0.000000e+00 : f32
    %broadcast_in_dim3A_537 = vector.broadcast %jit3A_536 : f32 to vector<40x80xf32>
    %select_n3A_538 = arith.select %gt3A_483, %add3A_535, %broadcast_in_dim3A_537 : vector<40x80xi1>, vector<40x80xf32>
    %add3A_539 = arith.addf %add3A_455, %select_n3A_538 : vector<40x80xf32>
    %get3A_540 = arith.constant 0 : index
    %get3A_541 = arith.constant 5 : index
    %get3A_542 = arith.constant 0 : index
    %get3A_543 = arith.constant 0 : index
    %get3A_544 = vector.load %arg5[%get3A_540, %get3A_541, %get3A_542, %get3A_543] : memref<1x18x40x80xf32, #tpu.memory_space<vmem>>, vector<1x1x40x80xf32>
    %get3A_545 = vector.shape_cast %get3A_544 : vector<1x1x40x80xf32> to vector<40x80xf32>
    %get3A_546 = arith.constant 0 : index
    %get3A_547 = arith.constant 5 : index
    %get3A_548 = arith.constant 0 : index
    %get3A_549 = arith.constant 0 : index
    %get3A_550 = vector.load %arg2[%get3A_546, %get3A_547, %get3A_548, %get3A_549] : memref<1x17x40x80xf32, #tpu.memory_space<vmem>>, vector<1x1x40x80xf32>
    %get3A_551 = vector.shape_cast %get3A_550 : vector<1x1x40x80xf32> to vector<40x80xf32>
    %max3A_552 = arith.constant 0.000000e+00 : f32
    %max3A_553 = vector.broadcast %max3A_552 : f32 to vector<40x80xf32>
    %max3A_554 = arith.maximumf %get3A_551, %max3A_553 : vector<40x80xf32>
    %mul3A_555 = arith.mulf %get3A_551, %get3A_545 : vector<40x80xf32>
    %sub3A_556 = arith.subf %max3A_554, %mul3A_555 : vector<40x80xf32>
    %abs3A_557 = math.absf %get3A_551 : vector<40x80xf32>
    %neg3A_558 = arith.constant 0.000000e+00 : f32
    %neg3A_559 = vector.broadcast %neg3A_558 : f32 to vector<40x80xf32>
    %neg3A_560 = arith.subf %neg3A_559, %abs3A_557 : vector<40x80xf32>
    %exp3A_561 = math.exp %neg3A_560 : vector<40x80xf32>
    %log1p3A_562 = math.log1p %exp3A_561 : vector<40x80xf32>
    %add3A_563 = arith.addf %sub3A_556, %log1p3A_562 : vector<40x80xf32>
    %add3A_564 = arith.addf %add3A_480, %add3A_563 : vector<40x80xf32>
    %gt3A_565 = arith.constant 5.000000e-01 : f32
    %gt3A_566 = vector.broadcast %gt3A_565 : f32 to vector<40x80xf32>
    %gt3A_567 = arith.cmpf ogt, %get3A_545, %gt3A_566 : vector<40x80xf32>
    %get3A_568 = arith.constant 0 : index
    %get3A_569 = arith.constant 5 : index
    %get3A_570 = arith.constant 0 : index
    %get3A_571 = arith.constant 0 : index
    %get3A_572 = arith.constant 0 : index
    %get3A_573 = vector.load %arg3[%get3A_568, %get3A_569, %get3A_570, %get3A_571, %get3A_572] : memref<1x17x2x40x80xf32, #tpu.memory_space<vmem>>, vector<1x1x1x40x80xf32>
    %get3A_574 = vector.shape_cast %get3A_573 : vector<1x1x1x40x80xf32> to vector<40x80xf32>
    %get3A_575 = arith.constant 0 : index
    %get3A_576 = arith.constant 5 : index
    %get3A_577 = arith.constant 0 : index
    %get3A_578 = arith.constant 0 : index
    %get3A_579 = arith.constant 0 : index
    %get3A_580 = vector.load %arg6[%get3A_575, %get3A_576, %get3A_577, %get3A_578, %get3A_579] : memref<1x17x2x40x80xf32, #tpu.memory_space<vmem>>, vector<1x1x1x40x80xf32>
    %get3A_581 = vector.shape_cast %get3A_580 : vector<1x1x1x40x80xf32> to vector<40x80xf32>
    %sub3A_582 = arith.subf %get3A_574, %get3A_581 : vector<40x80xf32>
    %integer_pow3A_583 = arith.mulf %sub3A_582, %sub3A_582 : vector<40x80xf32>
    %get3A_584 = arith.constant 0 : index
    %get3A_585 = arith.constant 5 : index
    %get3A_586 = arith.constant 1 : index
    %get3A_587 = arith.constant 0 : index
    %get3A_588 = arith.constant 0 : index
    %get3A_589 = vector.load %arg3[%get3A_584, %get3A_585, %get3A_586, %get3A_587, %get3A_588] : memref<1x17x2x40x80xf32, #tpu.memory_space<vmem>>, vector<1x1x1x40x80xf32>
    %get3A_590 = vector.shape_cast %get3A_589 : vector<1x1x1x40x80xf32> to vector<40x80xf32>
    %get3A_591 = arith.constant 0 : index
    %get3A_592 = arith.constant 5 : index
    %get3A_593 = arith.constant 1 : index
    %get3A_594 = arith.constant 0 : index
    %get3A_595 = arith.constant 0 : index
    %get3A_596 = vector.load %arg6[%get3A_591, %get3A_592, %get3A_593, %get3A_594, %get3A_595] : memref<1x17x2x40x80xf32, #tpu.memory_space<vmem>>, vector<1x1x1x40x80xf32>
    %get3A_597 = vector.shape_cast %get3A_596 : vector<1x1x1x40x80xf32> to vector<40x80xf32>
    %sub3A_598 = arith.subf %get3A_590, %get3A_597 : vector<40x80xf32>
    %integer_pow3A_599 = arith.mulf %sub3A_598, %sub3A_598 : vector<40x80xf32>
    %add3A_600 = arith.addf %integer_pow3A_583, %integer_pow3A_599 : vector<40x80xf32>
    %jit3A_601 = arith.constant 1.000000e+00 : f32
    %broadcast_in_dim3A_602 = vector.broadcast %jit3A_601 : f32 to vector<40x80xf32>
    %select_n3A_603 = arith.select %gt3A_567, %add3A_600, %broadcast_in_dim3A_602 : vector<40x80xi1>, vector<40x80xf32>
    %sqrt3A_604 = math.sqrt %select_n3A_603 : vector<40x80xf32>
    %get3A_605 = arith.constant 0 : index
    %get3A_606 = arith.constant 5 : index
    %get3A_607 = arith.constant 0 : index
    %get3A_608 = arith.constant 0 : index
    %get3A_609 = vector.load %arg4[%get3A_605, %get3A_606, %get3A_607, %get3A_608] : memref<1x17x40x80xf32, #tpu.memory_space<vmem>>, vector<1x1x40x80xf32>
    %get3A_610 = vector.shape_cast %get3A_609 : vector<1x1x40x80xf32> to vector<40x80xf32>
    %add3A_611 = arith.constant 6.940000e-01 : f32
    %add3A_612 = vector.broadcast %add3A_611 : f32 to vector<40x80xf32>
    %add3A_613 = arith.addf %add3A_612, %get3A_610 : vector<40x80xf32>
    %neg3A_614 = arith.constant 0.000000e+00 : f32
    %neg3A_615 = vector.broadcast %neg3A_614 : f32 to vector<40x80xf32>
    %neg3A_616 = arith.subf %neg3A_615, %get3A_610 : vector<40x80xf32>
    %exp3A_617 = math.exp %neg3A_616 : vector<40x80xf32>
    %mul3A_618 = arith.mulf %sqrt3A_604, %exp3A_617 : vector<40x80xf32>
    %add3A_619 = arith.addf %add3A_613, %mul3A_618 : vector<40x80xf32>
    %jit3A_620 = arith.constant 0.000000e+00 : f32
    %broadcast_in_dim3A_621 = vector.broadcast %jit3A_620 : f32 to vector<40x80xf32>
    %select_n3A_622 = arith.select %gt3A_567, %add3A_619, %broadcast_in_dim3A_621 : vector<40x80xi1>, vector<40x80xf32>
    %add3A_623 = arith.addf %add3A_539, %select_n3A_622 : vector<40x80xf32>
    %get3A_624 = arith.constant 0 : index
    %get3A_625 = arith.constant 6 : index
    %get3A_626 = arith.constant 0 : index
    %get3A_627 = arith.constant 0 : index
    %get3A_628 = vector.load %arg5[%get3A_624, %get3A_625, %get3A_626, %get3A_627] : memref<1x18x40x80xf32, #tpu.memory_space<vmem>>, vector<1x1x40x80xf32>
    %get3A_629 = vector.shape_cast %get3A_628 : vector<1x1x40x80xf32> to vector<40x80xf32>
    %get3A_630 = arith.constant 0 : index
    %get3A_631 = arith.constant 6 : index
    %get3A_632 = arith.constant 0 : index
    %get3A_633 = arith.constant 0 : index
    %get3A_634 = vector.load %arg2[%get3A_630, %get3A_631, %get3A_632, %get3A_633] : memref<1x17x40x80xf32, #tpu.memory_space<vmem>>, vector<1x1x40x80xf32>
    %get3A_635 = vector.shape_cast %get3A_634 : vector<1x1x40x80xf32> to vector<40x80xf32>
    %max3A_636 = arith.constant 0.000000e+00 : f32
    %max3A_637 = vector.broadcast %max3A_636 : f32 to vector<40x80xf32>
    %max3A_638 = arith.maximumf %get3A_635, %max3A_637 : vector<40x80xf32>
    %mul3A_639 = arith.mulf %get3A_635, %get3A_629 : vector<40x80xf32>
    %sub3A_640 = arith.subf %max3A_638, %mul3A_639 : vector<40x80xf32>
    %abs3A_641 = math.absf %get3A_635 : vector<40x80xf32>
    %neg3A_642 = arith.constant 0.000000e+00 : f32
    %neg3A_643 = vector.broadcast %neg3A_642 : f32 to vector<40x80xf32>
    %neg3A_644 = arith.subf %neg3A_643, %abs3A_641 : vector<40x80xf32>
    %exp3A_645 = math.exp %neg3A_644 : vector<40x80xf32>
    %log1p3A_646 = math.log1p %exp3A_645 : vector<40x80xf32>
    %add3A_647 = arith.addf %sub3A_640, %log1p3A_646 : vector<40x80xf32>
    %add3A_648 = arith.addf %add3A_564, %add3A_647 : vector<40x80xf32>
    %gt3A_649 = arith.constant 5.000000e-01 : f32
    %gt3A_650 = vector.broadcast %gt3A_649 : f32 to vector<40x80xf32>
    %gt3A_651 = arith.cmpf ogt, %get3A_629, %gt3A_650 : vector<40x80xf32>
    %get3A_652 = arith.constant 0 : index
    %get3A_653 = arith.constant 6 : index
    %get3A_654 = arith.constant 0 : index
    %get3A_655 = arith.constant 0 : index
    %get3A_656 = arith.constant 0 : index
    %get3A_657 = vector.load %arg3[%get3A_652, %get3A_653, %get3A_654, %get3A_655, %get3A_656] : memref<1x17x2x40x80xf32, #tpu.memory_space<vmem>>, vector<1x1x1x40x80xf32>
    %get3A_658 = vector.shape_cast %get3A_657 : vector<1x1x1x40x80xf32> to vector<40x80xf32>
    %get3A_659 = arith.constant 0 : index
    %get3A_660 = arith.constant 6 : index
    %get3A_661 = arith.constant 0 : index
    %get3A_662 = arith.constant 0 : index
    %get3A_663 = arith.constant 0 : index
    %get3A_664 = vector.load %arg6[%get3A_659, %get3A_660, %get3A_661, %get3A_662, %get3A_663] : memref<1x17x2x40x80xf32, #tpu.memory_space<vmem>>, vector<1x1x1x40x80xf32>
    %get3A_665 = vector.shape_cast %get3A_664 : vector<1x1x1x40x80xf32> to vector<40x80xf32>
    %sub3A_666 = arith.subf %get3A_658, %get3A_665 : vector<40x80xf32>
    %integer_pow3A_667 = arith.mulf %sub3A_666, %sub3A_666 : vector<40x80xf32>
    %get3A_668 = arith.constant 0 : index
    %get3A_669 = arith.constant 6 : index
    %get3A_670 = arith.constant 1 : index
    %get3A_671 = arith.constant 0 : index
    %get3A_672 = arith.constant 0 : index
    %get3A_673 = vector.load %arg3[%get3A_668, %get3A_669, %get3A_670, %get3A_671, %get3A_672] : memref<1x17x2x40x80xf32, #tpu.memory_space<vmem>>, vector<1x1x1x40x80xf32>
    %get3A_674 = vector.shape_cast %get3A_673 : vector<1x1x1x40x80xf32> to vector<40x80xf32>
    %get3A_675 = arith.constant 0 : index
    %get3A_676 = arith.constant 6 : index
    %get3A_677 = arith.constant 1 : index
    %get3A_678 = arith.constant 0 : index
    %get3A_679 = arith.constant 0 : index
    %get3A_680 = vector.load %arg6[%get3A_675, %get3A_676, %get3A_677, %get3A_678, %get3A_679] : memref<1x17x2x40x80xf32, #tpu.memory_space<vmem>>, vector<1x1x1x40x80xf32>
    %get3A_681 = vector.shape_cast %get3A_680 : vector<1x1x1x40x80xf32> to vector<40x80xf32>
    %sub3A_682 = arith.subf %get3A_674, %get3A_681 : vector<40x80xf32>
    %integer_pow3A_683 = arith.mulf %sub3A_682, %sub3A_682 : vector<40x80xf32>
    %add3A_684 = arith.addf %integer_pow3A_667, %integer_pow3A_683 : vector<40x80xf32>
    %jit3A_685 = arith.constant 1.000000e+00 : f32
    %broadcast_in_dim3A_686 = vector.broadcast %jit3A_685 : f32 to vector<40x80xf32>
    %select_n3A_687 = arith.select %gt3A_651, %add3A_684, %broadcast_in_dim3A_686 : vector<40x80xi1>, vector<40x80xf32>
    %sqrt3A_688 = math.sqrt %select_n3A_687 : vector<40x80xf32>
    %get3A_689 = arith.constant 0 : index
    %get3A_690 = arith.constant 6 : index
    %get3A_691 = arith.constant 0 : index
    %get3A_692 = arith.constant 0 : index
    %get3A_693 = vector.load %arg4[%get3A_689, %get3A_690, %get3A_691, %get3A_692] : memref<1x17x40x80xf32, #tpu.memory_space<vmem>>, vector<1x1x40x80xf32>
    %get3A_694 = vector.shape_cast %get3A_693 : vector<1x1x40x80xf32> to vector<40x80xf32>
    %add3A_695 = arith.constant 6.940000e-01 : f32
    %add3A_696 = vector.broadcast %add3A_695 : f32 to vector<40x80xf32>
    %add3A_697 = arith.addf %add3A_696, %get3A_694 : vector<40x80xf32>
    %neg3A_698 = arith.constant 0.000000e+00 : f32
    %neg3A_699 = vector.broadcast %neg3A_698 : f32 to vector<40x80xf32>
    %neg3A_700 = arith.subf %neg3A_699, %get3A_694 : vector<40x80xf32>
    %exp3A_701 = math.exp %neg3A_700 : vector<40x80xf32>
    %mul3A_702 = arith.mulf %sqrt3A_688, %exp3A_701 : vector<40x80xf32>
    %add3A_703 = arith.addf %add3A_697, %mul3A_702 : vector<40x80xf32>
    %jit3A_704 = arith.constant 0.000000e+00 : f32
    %broadcast_in_dim3A_705 = vector.broadcast %jit3A_704 : f32 to vector<40x80xf32>
    %select_n3A_706 = arith.select %gt3A_651, %add3A_703, %broadcast_in_dim3A_705 : vector<40x80xi1>, vector<40x80xf32>
    %add3A_707 = arith.addf %add3A_623, %select_n3A_706 : vector<40x80xf32>
    %get3A_708 = arith.constant 0 : index
    %get3A_709 = arith.constant 7 : index
    %get3A_710 = arith.constant 0 : index
    %get3A_711 = arith.constant 0 : index
    %get3A_712 = vector.load %arg5[%get3A_708, %get3A_709, %get3A_710, %get3A_711] : memref<1x18x40x80xf32, #tpu.memory_space<vmem>>, vector<1x1x40x80xf32>
    %get3A_713 = vector.shape_cast %get3A_712 : vector<1x1x40x80xf32> to vector<40x80xf32>
    %get3A_714 = arith.constant 0 : index
    %get3A_715 = arith.constant 7 : index
    %get3A_716 = arith.constant 0 : index
    %get3A_717 = arith.constant 0 : index
    %get3A_718 = vector.load %arg2[%get3A_714, %get3A_715, %get3A_716, %get3A_717] : memref<1x17x40x80xf32, #tpu.memory_space<vmem>>, vector<1x1x40x80xf32>
    %get3A_719 = vector.shape_cast %get3A_718 : vector<1x1x40x80xf32> to vector<40x80xf32>
    %max3A_720 = arith.constant 0.000000e+00 : f32
    %max3A_721 = vector.broadcast %max3A_720 : f32 to vector<40x80xf32>
    %max3A_722 = arith.maximumf %get3A_719, %max3A_721 : vector<40x80xf32>
    %mul3A_723 = arith.mulf %get3A_719, %get3A_713 : vector<40x80xf32>
    %sub3A_724 = arith.subf %max3A_722, %mul3A_723 : vector<40x80xf32>
    %abs3A_725 = math.absf %get3A_719 : vector<40x80xf32>
    %neg3A_726 = arith.constant 0.000000e+00 : f32
    %neg3A_727 = vector.broadcast %neg3A_726 : f32 to vector<40x80xf32>
    %neg3A_728 = arith.subf %neg3A_727, %abs3A_725 : vector<40x80xf32>
    %exp3A_729 = math.exp %neg3A_728 : vector<40x80xf32>
    %log1p3A_730 = math.log1p %exp3A_729 : vector<40x80xf32>
    %add3A_731 = arith.addf %sub3A_724, %log1p3A_730 : vector<40x80xf32>
    %add3A_732 = arith.addf %add3A_648, %add3A_731 : vector<40x80xf32>
    %gt3A_733 = arith.constant 5.000000e-01 : f32
    %gt3A_734 = vector.broadcast %gt3A_733 : f32 to vector<40x80xf32>
    %gt3A_735 = arith.cmpf ogt, %get3A_713, %gt3A_734 : vector<40x80xf32>
    %get3A_736 = arith.constant 0 : index
    %get3A_737 = arith.constant 7 : index
    %get3A_738 = arith.constant 0 : index
    %get3A_739 = arith.constant 0 : index
    %get3A_740 = arith.constant 0 : index
    %get3A_741 = vector.load %arg3[%get3A_736, %get3A_737, %get3A_738, %get3A_739, %get3A_740] : memref<1x17x2x40x80xf32, #tpu.memory_space<vmem>>, vector<1x1x1x40x80xf32>
    %get3A_742 = vector.shape_cast %get3A_741 : vector<1x1x1x40x80xf32> to vector<40x80xf32>
    %get3A_743 = arith.constant 0 : index
    %get3A_744 = arith.constant 7 : index
    %get3A_745 = arith.constant 0 : index
    %get3A_746 = arith.constant 0 : index
    %get3A_747 = arith.constant 0 : index
    %get3A_748 = vector.load %arg6[%get3A_743, %get3A_744, %get3A_745, %get3A_746, %get3A_747] : memref<1x17x2x40x80xf32, #tpu.memory_space<vmem>>, vector<1x1x1x40x80xf32>
    %get3A_749 = vector.shape_cast %get3A_748 : vector<1x1x1x40x80xf32> to vector<40x80xf32>
    %sub3A_750 = arith.subf %get3A_742, %get3A_749 : vector<40x80xf32>
    %integer_pow3A_751 = arith.mulf %sub3A_750, %sub3A_750 : vector<40x80xf32>
    %get3A_752 = arith.constant 0 : index
    %get3A_753 = arith.constant 7 : index
    %get3A_754 = arith.constant 1 : index
    %get3A_755 = arith.constant 0 : index
    %get3A_756 = arith.constant 0 : index
    %get3A_757 = vector.load %arg3[%get3A_752, %get3A_753, %get3A_754, %get3A_755, %get3A_756] : memref<1x17x2x40x80xf32, #tpu.memory_space<vmem>>, vector<1x1x1x40x80xf32>
    %get3A_758 = vector.shape_cast %get3A_757 : vector<1x1x1x40x80xf32> to vector<40x80xf32>
    %get3A_759 = arith.constant 0 : index
    %get3A_760 = arith.constant 7 : index
    %get3A_761 = arith.constant 1 : index
    %get3A_762 = arith.constant 0 : index
    %get3A_763 = arith.constant 0 : index
    %get3A_764 = vector.load %arg6[%get3A_759, %get3A_760, %get3A_761, %get3A_762, %get3A_763] : memref<1x17x2x40x80xf32, #tpu.memory_space<vmem>>, vector<1x1x1x40x80xf32>
    %get3A_765 = vector.shape_cast %get3A_764 : vector<1x1x1x40x80xf32> to vector<40x80xf32>
    %sub3A_766 = arith.subf %get3A_758, %get3A_765 : vector<40x80xf32>
    %integer_pow3A_767 = arith.mulf %sub3A_766, %sub3A_766 : vector<40x80xf32>
    %add3A_768 = arith.addf %integer_pow3A_751, %integer_pow3A_767 : vector<40x80xf32>
    %jit3A_769 = arith.constant 1.000000e+00 : f32
    %broadcast_in_dim3A_770 = vector.broadcast %jit3A_769 : f32 to vector<40x80xf32>
    %select_n3A_771 = arith.select %gt3A_735, %add3A_768, %broadcast_in_dim3A_770 : vector<40x80xi1>, vector<40x80xf32>
    %sqrt3A_772 = math.sqrt %select_n3A_771 : vector<40x80xf32>
    %get3A_773 = arith.constant 0 : index
    %get3A_774 = arith.constant 7 : index
    %get3A_775 = arith.constant 0 : index
    %get3A_776 = arith.constant 0 : index
    %get3A_777 = vector.load %arg4[%get3A_773, %get3A_774, %get3A_775, %get3A_776] : memref<1x17x40x80xf32, #tpu.memory_space<vmem>>, vector<1x1x40x80xf32>
    %get3A_778 = vector.shape_cast %get3A_777 : vector<1x1x40x80xf32> to vector<40x80xf32>
    %add3A_779 = arith.constant 6.940000e-01 : f32
    %add3A_780 = vector.broadcast %add3A_779 : f32 to vector<40x80xf32>
    %add3A_781 = arith.addf %add3A_780, %get3A_778 : vector<40x80xf32>
    %neg3A_782 = arith.constant 0.000000e+00 : f32
    %neg3A_783 = vector.broadcast %neg3A_782 : f32 to vector<40x80xf32>
    %neg3A_784 = arith.subf %neg3A_783, %get3A_778 : vector<40x80xf32>
    %exp3A_785 = math.exp %neg3A_784 : vector<40x80xf32>
    %mul3A_786 = arith.mulf %sqrt3A_772, %exp3A_785 : vector<40x80xf32>
    %add3A_787 = arith.addf %add3A_781, %mul3A_786 : vector<40x80xf32>
    %jit3A_788 = arith.constant 0.000000e+00 : f32
    %broadcast_in_dim3A_789 = vector.broadcast %jit3A_788 : f32 to vector<40x80xf32>
    %select_n3A_790 = arith.select %gt3A_735, %add3A_787, %broadcast_in_dim3A_789 : vector<40x80xi1>, vector<40x80xf32>
    %add3A_791 = arith.addf %add3A_707, %select_n3A_790 : vector<40x80xf32>
    %get3A_792 = arith.constant 0 : index
    %get3A_793 = arith.constant 8 : index
    %get3A_794 = arith.constant 0 : index
    %get3A_795 = arith.constant 0 : index
    %get3A_796 = vector.load %arg5[%get3A_792, %get3A_793, %get3A_794, %get3A_795] : memref<1x18x40x80xf32, #tpu.memory_space<vmem>>, vector<1x1x40x80xf32>
    %get3A_797 = vector.shape_cast %get3A_796 : vector<1x1x40x80xf32> to vector<40x80xf32>
    %get3A_798 = arith.constant 0 : index
    %get3A_799 = arith.constant 8 : index
    %get3A_800 = arith.constant 0 : index
    %get3A_801 = arith.constant 0 : index
    %get3A_802 = vector.load %arg2[%get3A_798, %get3A_799, %get3A_800, %get3A_801] : memref<1x17x40x80xf32, #tpu.memory_space<vmem>>, vector<1x1x40x80xf32>
    %get3A_803 = vector.shape_cast %get3A_802 : vector<1x1x40x80xf32> to vector<40x80xf32>
    %max3A_804 = arith.constant 0.000000e+00 : f32
    %max3A_805 = vector.broadcast %max3A_804 : f32 to vector<40x80xf32>
    %max3A_806 = arith.maximumf %get3A_803, %max3A_805 : vector<40x80xf32>
    %mul3A_807 = arith.mulf %get3A_803, %get3A_797 : vector<40x80xf32>
    %sub3A_808 = arith.subf %max3A_806, %mul3A_807 : vector<40x80xf32>
    %abs3A_809 = math.absf %get3A_803 : vector<40x80xf32>
    %neg3A_810 = arith.constant 0.000000e+00 : f32
    %neg3A_811 = vector.broadcast %neg3A_810 : f32 to vector<40x80xf32>
    %neg3A_812 = arith.subf %neg3A_811, %abs3A_809 : vector<40x80xf32>
    %exp3A_813 = math.exp %neg3A_812 : vector<40x80xf32>
    %log1p3A_814 = math.log1p %exp3A_813 : vector<40x80xf32>
    %add3A_815 = arith.addf %sub3A_808, %log1p3A_814 : vector<40x80xf32>
    %add3A_816 = arith.addf %add3A_732, %add3A_815 : vector<40x80xf32>
    %gt3A_817 = arith.constant 5.000000e-01 : f32
    %gt3A_818 = vector.broadcast %gt3A_817 : f32 to vector<40x80xf32>
    %gt3A_819 = arith.cmpf ogt, %get3A_797, %gt3A_818 : vector<40x80xf32>
    %get3A_820 = arith.constant 0 : index
    %get3A_821 = arith.constant 8 : index
    %get3A_822 = arith.constant 0 : index
    %get3A_823 = arith.constant 0 : index
    %get3A_824 = arith.constant 0 : index
    %get3A_825 = vector.load %arg3[%get3A_820, %get3A_821, %get3A_822, %get3A_823, %get3A_824] : memref<1x17x2x40x80xf32, #tpu.memory_space<vmem>>, vector<1x1x1x40x80xf32>
    %get3A_826 = vector.shape_cast %get3A_825 : vector<1x1x1x40x80xf32> to vector<40x80xf32>
    %get3A_827 = arith.constant 0 : index
    %get3A_828 = arith.constant 8 : index
    %get3A_829 = arith.constant 0 : index
    %get3A_830 = arith.constant 0 : index
    %get3A_831 = arith.constant 0 : index
    %get3A_832 = vector.load %arg6[%get3A_827, %get3A_828, %get3A_829, %get3A_830, %get3A_831] : memref<1x17x2x40x80xf32, #tpu.memory_space<vmem>>, vector<1x1x1x40x80xf32>
    %get3A_833 = vector.shape_cast %get3A_832 : vector<1x1x1x40x80xf32> to vector<40x80xf32>
    %sub3A_834 = arith.subf %get3A_826, %get3A_833 : vector<40x80xf32>
    %integer_pow3A_835 = arith.mulf %sub3A_834, %sub3A_834 : vector<40x80xf32>
    %get3A_836 = arith.constant 0 : index
    %get3A_837 = arith.constant 8 : index
    %get3A_838 = arith.constant 1 : index
    %get3A_839 = arith.constant 0 : index
    %get3A_840 = arith.constant 0 : index
    %get3A_841 = vector.load %arg3[%get3A_836, %get3A_837, %get3A_838, %get3A_839, %get3A_840] : memref<1x17x2x40x80xf32, #tpu.memory_space<vmem>>, vector<1x1x1x40x80xf32>
    %get3A_842 = vector.shape_cast %get3A_841 : vector<1x1x1x40x80xf32> to vector<40x80xf32>
    %get3A_843 = arith.constant 0 : index
    %get3A_844 = arith.constant 8 : index
    %get3A_845 = arith.constant 1 : index
    %get3A_846 = arith.constant 0 : index
    %get3A_847 = arith.constant 0 : index
    %get3A_848 = vector.load %arg6[%get3A_843, %get3A_844, %get3A_845, %get3A_846, %get3A_847] : memref<1x17x2x40x80xf32, #tpu.memory_space<vmem>>, vector<1x1x1x40x80xf32>
    %get3A_849 = vector.shape_cast %get3A_848 : vector<1x1x1x40x80xf32> to vector<40x80xf32>
    %sub3A_850 = arith.subf %get3A_842, %get3A_849 : vector<40x80xf32>
    %integer_pow3A_851 = arith.mulf %sub3A_850, %sub3A_850 : vector<40x80xf32>
    %add3A_852 = arith.addf %integer_pow3A_835, %integer_pow3A_851 : vector<40x80xf32>
    %jit3A_853 = arith.constant 1.000000e+00 : f32
    %broadcast_in_dim3A_854 = vector.broadcast %jit3A_853 : f32 to vector<40x80xf32>
    %select_n3A_855 = arith.select %gt3A_819, %add3A_852, %broadcast_in_dim3A_854 : vector<40x80xi1>, vector<40x80xf32>
    %sqrt3A_856 = math.sqrt %select_n3A_855 : vector<40x80xf32>
    %get3A_857 = arith.constant 0 : index
    %get3A_858 = arith.constant 8 : index
    %get3A_859 = arith.constant 0 : index
    %get3A_860 = arith.constant 0 : index
    %get3A_861 = vector.load %arg4[%get3A_857, %get3A_858, %get3A_859, %get3A_860] : memref<1x17x40x80xf32, #tpu.memory_space<vmem>>, vector<1x1x40x80xf32>
    %get3A_862 = vector.shape_cast %get3A_861 : vector<1x1x40x80xf32> to vector<40x80xf32>
    %add3A_863 = arith.constant 6.940000e-01 : f32
    %add3A_864 = vector.broadcast %add3A_863 : f32 to vector<40x80xf32>
    %add3A_865 = arith.addf %add3A_864, %get3A_862 : vector<40x80xf32>
    %neg3A_866 = arith.constant 0.000000e+00 : f32
    %neg3A_867 = vector.broadcast %neg3A_866 : f32 to vector<40x80xf32>
    %neg3A_868 = arith.subf %neg3A_867, %get3A_862 : vector<40x80xf32>
    %exp3A_869 = math.exp %neg3A_868 : vector<40x80xf32>
    %mul3A_870 = arith.mulf %sqrt3A_856, %exp3A_869 : vector<40x80xf32>
    %add3A_871 = arith.addf %add3A_865, %mul3A_870 : vector<40x80xf32>
    %jit3A_872 = arith.constant 0.000000e+00 : f32
    %broadcast_in_dim3A_873 = vector.broadcast %jit3A_872 : f32 to vector<40x80xf32>
    %select_n3A_874 = arith.select %gt3A_819, %add3A_871, %broadcast_in_dim3A_873 : vector<40x80xi1>, vector<40x80xf32>
    %add3A_875 = arith.addf %add3A_791, %select_n3A_874 : vector<40x80xf32>
    %get3A_876 = arith.constant 0 : index
    %get3A_877 = arith.constant 9 : index
    %get3A_878 = arith.constant 0 : index
    %get3A_879 = arith.constant 0 : index
    %get3A_880 = vector.load %arg5[%get3A_876, %get3A_877, %get3A_878, %get3A_879] : memref<1x18x40x80xf32, #tpu.memory_space<vmem>>, vector<1x1x40x80xf32>
    %get3A_881 = vector.shape_cast %get3A_880 : vector<1x1x40x80xf32> to vector<40x80xf32>
    %get3A_882 = arith.constant 0 : index
    %get3A_883 = arith.constant 9 : index
    %get3A_884 = arith.constant 0 : index
    %get3A_885 = arith.constant 0 : index
    %get3A_886 = vector.load %arg2[%get3A_882, %get3A_883, %get3A_884, %get3A_885] : memref<1x17x40x80xf32, #tpu.memory_space<vmem>>, vector<1x1x40x80xf32>
    %get3A_887 = vector.shape_cast %get3A_886 : vector<1x1x40x80xf32> to vector<40x80xf32>
    %max3A_888 = arith.constant 0.000000e+00 : f32
    %max3A_889 = vector.broadcast %max3A_888 : f32 to vector<40x80xf32>
    %max3A_890 = arith.maximumf %get3A_887, %max3A_889 : vector<40x80xf32>
    %mul3A_891 = arith.mulf %get3A_887, %get3A_881 : vector<40x80xf32>
    %sub3A_892 = arith.subf %max3A_890, %mul3A_891 : vector<40x80xf32>
    %abs3A_893 = math.absf %get3A_887 : vector<40x80xf32>
    %neg3A_894 = arith.constant 0.000000e+00 : f32
    %neg3A_895 = vector.broadcast %neg3A_894 : f32 to vector<40x80xf32>
    %neg3A_896 = arith.subf %neg3A_895, %abs3A_893 : vector<40x80xf32>
    %exp3A_897 = math.exp %neg3A_896 : vector<40x80xf32>
    %log1p3A_898 = math.log1p %exp3A_897 : vector<40x80xf32>
    %add3A_899 = arith.addf %sub3A_892, %log1p3A_898 : vector<40x80xf32>
    %add3A_900 = arith.addf %add3A_816, %add3A_899 : vector<40x80xf32>
    %gt3A_901 = arith.constant 5.000000e-01 : f32
    %gt3A_902 = vector.broadcast %gt3A_901 : f32 to vector<40x80xf32>
    %gt3A_903 = arith.cmpf ogt, %get3A_881, %gt3A_902 : vector<40x80xf32>
    %get3A_904 = arith.constant 0 : index
    %get3A_905 = arith.constant 9 : index
    %get3A_906 = arith.constant 0 : index
    %get3A_907 = arith.constant 0 : index
    %get3A_908 = arith.constant 0 : index
    %get3A_909 = vector.load %arg3[%get3A_904, %get3A_905, %get3A_906, %get3A_907, %get3A_908] : memref<1x17x2x40x80xf32, #tpu.memory_space<vmem>>, vector<1x1x1x40x80xf32>
    %get3A_910 = vector.shape_cast %get3A_909 : vector<1x1x1x40x80xf32> to vector<40x80xf32>
    %get3A_911 = arith.constant 0 : index
    %get3A_912 = arith.constant 9 : index
    %get3A_913 = arith.constant 0 : index
    %get3A_914 = arith.constant 0 : index
    %get3A_915 = arith.constant 0 : index
    %get3A_916 = vector.load %arg6[%get3A_911, %get3A_912, %get3A_913, %get3A_914, %get3A_915] : memref<1x17x2x40x80xf32, #tpu.memory_space<vmem>>, vector<1x1x1x40x80xf32>
    %get3A_917 = vector.shape_cast %get3A_916 : vector<1x1x1x40x80xf32> to vector<40x80xf32>
    %sub3A_918 = arith.subf %get3A_910, %get3A_917 : vector<40x80xf32>
    %integer_pow3A_919 = arith.mulf %sub3A_918, %sub3A_918 : vector<40x80xf32>
    %get3A_920 = arith.constant 0 : index
    %get3A_921 = arith.constant 9 : index
    %get3A_922 = arith.constant 1 : index
    %get3A_923 = arith.constant 0 : index
    %get3A_924 = arith.constant 0 : index
    %get3A_925 = vector.load %arg3[%get3A_920, %get3A_921, %get3A_922, %get3A_923, %get3A_924] : memref<1x17x2x40x80xf32, #tpu.memory_space<vmem>>, vector<1x1x1x40x80xf32>
    %get3A_926 = vector.shape_cast %get3A_925 : vector<1x1x1x40x80xf32> to vector<40x80xf32>
    %get3A_927 = arith.constant 0 : index
    %get3A_928 = arith.constant 9 : index
    %get3A_929 = arith.constant 1 : index
    %get3A_930 = arith.constant 0 : index
    %get3A_931 = arith.constant 0 : index
    %get3A_932 = vector.load %arg6[%get3A_927, %get3A_928, %get3A_929, %get3A_930, %get3A_931] : memref<1x17x2x40x80xf32, #tpu.memory_space<vmem>>, vector<1x1x1x40x80xf32>
    %get3A_933 = vector.shape_cast %get3A_932 : vector<1x1x1x40x80xf32> to vector<40x80xf32>
    %sub3A_934 = arith.subf %get3A_926, %get3A_933 : vector<40x80xf32>
    %integer_pow3A_935 = arith.mulf %sub3A_934, %sub3A_934 : vector<40x80xf32>
    %add3A_936 = arith.addf %integer_pow3A_919, %integer_pow3A_935 : vector<40x80xf32>
    %jit3A_937 = arith.constant 1.000000e+00 : f32
    %broadcast_in_dim3A_938 = vector.broadcast %jit3A_937 : f32 to vector<40x80xf32>
    %select_n3A_939 = arith.select %gt3A_903, %add3A_936, %broadcast_in_dim3A_938 : vector<40x80xi1>, vector<40x80xf32>
    %sqrt3A_940 = math.sqrt %select_n3A_939 : vector<40x80xf32>
    %get3A_941 = arith.constant 0 : index
    %get3A_942 = arith.constant 9 : index
    %get3A_943 = arith.constant 0 : index
    %get3A_944 = arith.constant 0 : index
    %get3A_945 = vector.load %arg4[%get3A_941, %get3A_942, %get3A_943, %get3A_944] : memref<1x17x40x80xf32, #tpu.memory_space<vmem>>, vector<1x1x40x80xf32>
    %get3A_946 = vector.shape_cast %get3A_945 : vector<1x1x40x80xf32> to vector<40x80xf32>
    %add3A_947 = arith.constant 6.940000e-01 : f32
    %add3A_948 = vector.broadcast %add3A_947 : f32 to vector<40x80xf32>
    %add3A_949 = arith.addf %add3A_948, %get3A_946 : vector<40x80xf32>
    %neg3A_950 = arith.constant 0.000000e+00 : f32
    %neg3A_951 = vector.broadcast %neg3A_950 : f32 to vector<40x80xf32>
    %neg3A_952 = arith.subf %neg3A_951, %get3A_946 : vector<40x80xf32>
    %exp3A_953 = math.exp %neg3A_952 : vector<40x80xf32>
    %mul3A_954 = arith.mulf %sqrt3A_940, %exp3A_953 : vector<40x80xf32>
    %add3A_955 = arith.addf %add3A_949, %mul3A_954 : vector<40x80xf32>
    %jit3A_956 = arith.constant 0.000000e+00 : f32
    %broadcast_in_dim3A_957 = vector.broadcast %jit3A_956 : f32 to vector<40x80xf32>
    %select_n3A_958 = arith.select %gt3A_903, %add3A_955, %broadcast_in_dim3A_957 : vector<40x80xi1>, vector<40x80xf32>
    %add3A_959 = arith.addf %add3A_875, %select_n3A_958 : vector<40x80xf32>
    %get3A_960 = arith.constant 0 : index
    %get3A_961 = arith.constant 10 : index
    %get3A_962 = arith.constant 0 : index
    %get3A_963 = arith.constant 0 : index
    %get3A_964 = vector.load %arg5[%get3A_960, %get3A_961, %get3A_962, %get3A_963] : memref<1x18x40x80xf32, #tpu.memory_space<vmem>>, vector<1x1x40x80xf32>
    %get3A_965 = vector.shape_cast %get3A_964 : vector<1x1x40x80xf32> to vector<40x80xf32>
    %get3A_966 = arith.constant 0 : index
    %get3A_967 = arith.constant 10 : index
    %get3A_968 = arith.constant 0 : index
    %get3A_969 = arith.constant 0 : index
    %get3A_970 = vector.load %arg2[%get3A_966, %get3A_967, %get3A_968, %get3A_969] : memref<1x17x40x80xf32, #tpu.memory_space<vmem>>, vector<1x1x40x80xf32>
    %get3A_971 = vector.shape_cast %get3A_970 : vector<1x1x40x80xf32> to vector<40x80xf32>
    %max3A_972 = arith.constant 0.000000e+00 : f32
    %max3A_973 = vector.broadcast %max3A_972 : f32 to vector<40x80xf32>
    %max3A_974 = arith.maximumf %get3A_971, %max3A_973 : vector<40x80xf32>
    %mul3A_975 = arith.mulf %get3A_971, %get3A_965 : vector<40x80xf32>
    %sub3A_976 = arith.subf %max3A_974, %mul3A_975 : vector<40x80xf32>
    %abs3A_977 = math.absf %get3A_971 : vector<40x80xf32>
    %neg3A_978 = arith.constant 0.000000e+00 : f32
    %neg3A_979 = vector.broadcast %neg3A_978 : f32 to vector<40x80xf32>
    %neg3A_980 = arith.subf %neg3A_979, %abs3A_977 : vector<40x80xf32>
    %exp3A_981 = math.exp %neg3A_980 : vector<40x80xf32>
    %log1p3A_982 = math.log1p %exp3A_981 : vector<40x80xf32>
    %add3A_983 = arith.addf %sub3A_976, %log1p3A_982 : vector<40x80xf32>
    %add3A_984 = arith.addf %add3A_900, %add3A_983 : vector<40x80xf32>
    %gt3A_985 = arith.constant 5.000000e-01 : f32
    %gt3A_986 = vector.broadcast %gt3A_985 : f32 to vector<40x80xf32>
    %gt3A_987 = arith.cmpf ogt, %get3A_965, %gt3A_986 : vector<40x80xf32>
    %get3A_988 = arith.constant 0 : index
    %get3A_989 = arith.constant 10 : index
    %get3A_990 = arith.constant 0 : index
    %get3A_991 = arith.constant 0 : index
    %get3A_992 = arith.constant 0 : index
    %get3A_993 = vector.load %arg3[%get3A_988, %get3A_989, %get3A_990, %get3A_991, %get3A_992] : memref<1x17x2x40x80xf32, #tpu.memory_space<vmem>>, vector<1x1x1x40x80xf32>
    %get3A_994 = vector.shape_cast %get3A_993 : vector<1x1x1x40x80xf32> to vector<40x80xf32>
    %get3A_995 = arith.constant 0 : index
    %get3A_996 = arith.constant 10 : index
    %get3A_997 = arith.constant 0 : index
    %get3A_998 = arith.constant 0 : index
    %get3A_999 = arith.constant 0 : index
    %get3A_1000 = vector.load %arg6[%get3A_995, %get3A_996, %get3A_997, %get3A_998, %get3A_999] : memref<1x17x2x40x80xf32, #tpu.memory_space<vmem>>, vector<1x1x1x40x80xf32>
    %get3A_1001 = vector.shape_cast %get3A_1000 : vector<1x1x1x40x80xf32> to vector<40x80xf32>
    %sub3A_1002 = arith.subf %get3A_994, %get3A_1001 : vector<40x80xf32>
    %integer_pow3A_1003 = arith.mulf %sub3A_1002, %sub3A_1002 : vector<40x80xf32>
    %get3A_1004 = arith.constant 0 : index
    %get3A_1005 = arith.constant 10 : index
    %get3A_1006 = arith.constant 1 : index
    %get3A_1007 = arith.constant 0 : index
    %get3A_1008 = arith.constant 0 : index
    %get3A_1009 = vector.load %arg3[%get3A_1004, %get3A_1005, %get3A_1006, %get3A_1007, %get3A_1008] : memref<1x17x2x40x80xf32, #tpu.memory_space<vmem>>, vector<1x1x1x40x80xf32>
    %get3A_1010 = vector.shape_cast %get3A_1009 : vector<1x1x1x40x80xf32> to vector<40x80xf32>
    %get3A_1011 = arith.constant 0 : index
    %get3A_1012 = arith.constant 10 : index
    %get3A_1013 = arith.constant 1 : index
    %get3A_1014 = arith.constant 0 : index
    %get3A_1015 = arith.constant 0 : index
    %get3A_1016 = vector.load %arg6[%get3A_1011, %get3A_1012, %get3A_1013, %get3A_1014, %get3A_1015] : memref<1x17x2x40x80xf32, #tpu.memory_space<vmem>>, vector<1x1x1x40x80xf32>
    %get3A_1017 = vector.shape_cast %get3A_1016 : vector<1x1x1x40x80xf32> to vector<40x80xf32>
    %sub3A_1018 = arith.subf %get3A_1010, %get3A_1017 : vector<40x80xf32>
    %integer_pow3A_1019 = arith.mulf %sub3A_1018, %sub3A_1018 : vector<40x80xf32>
    %add3A_1020 = arith.addf %integer_pow3A_1003, %integer_pow3A_1019 : vector<40x80xf32>
    %jit3A_1021 = arith.constant 1.000000e+00 : f32
    %broadcast_in_dim3A_1022 = vector.broadcast %jit3A_1021 : f32 to vector<40x80xf32>
    %select_n3A_1023 = arith.select %gt3A_987, %add3A_1020, %broadcast_in_dim3A_1022 : vector<40x80xi1>, vector<40x80xf32>
    %sqrt3A_1024 = math.sqrt %select_n3A_1023 : vector<40x80xf32>
    %get3A_1025 = arith.constant 0 : index
    %get3A_1026 = arith.constant 10 : index
    %get3A_1027 = arith.constant 0 : index
    %get3A_1028 = arith.constant 0 : index
    %get3A_1029 = vector.load %arg4[%get3A_1025, %get3A_1026, %get3A_1027, %get3A_1028] : memref<1x17x40x80xf32, #tpu.memory_space<vmem>>, vector<1x1x40x80xf32>
    %get3A_1030 = vector.shape_cast %get3A_1029 : vector<1x1x40x80xf32> to vector<40x80xf32>
    %add3A_1031 = arith.constant 6.940000e-01 : f32
    %add3A_1032 = vector.broadcast %add3A_1031 : f32 to vector<40x80xf32>
    %add3A_1033 = arith.addf %add3A_1032, %get3A_1030 : vector<40x80xf32>
    %neg3A_1034 = arith.constant 0.000000e+00 : f32
    %neg3A_1035 = vector.broadcast %neg3A_1034 : f32 to vector<40x80xf32>
    %neg3A_1036 = arith.subf %neg3A_1035, %get3A_1030 : vector<40x80xf32>
    %exp3A_1037 = math.exp %neg3A_1036 : vector<40x80xf32>
    %mul3A_1038 = arith.mulf %sqrt3A_1024, %exp3A_1037 : vector<40x80xf32>
    %add3A_1039 = arith.addf %add3A_1033, %mul3A_1038 : vector<40x80xf32>
    %jit3A_1040 = arith.constant 0.000000e+00 : f32
    %broadcast_in_dim3A_1041 = vector.broadcast %jit3A_1040 : f32 to vector<40x80xf32>
    %select_n3A_1042 = arith.select %gt3A_987, %add3A_1039, %broadcast_in_dim3A_1041 : vector<40x80xi1>, vector<40x80xf32>
    %add3A_1043 = arith.addf %add3A_959, %select_n3A_1042 : vector<40x80xf32>
    %get3A_1044 = arith.constant 0 : index
    %get3A_1045 = arith.constant 11 : index
    %get3A_1046 = arith.constant 0 : index
    %get3A_1047 = arith.constant 0 : index
    %get3A_1048 = vector.load %arg5[%get3A_1044, %get3A_1045, %get3A_1046, %get3A_1047] : memref<1x18x40x80xf32, #tpu.memory_space<vmem>>, vector<1x1x40x80xf32>
    %get3A_1049 = vector.shape_cast %get3A_1048 : vector<1x1x40x80xf32> to vector<40x80xf32>
    %get3A_1050 = arith.constant 0 : index
    %get3A_1051 = arith.constant 11 : index
    %get3A_1052 = arith.constant 0 : index
    %get3A_1053 = arith.constant 0 : index
    %get3A_1054 = vector.load %arg2[%get3A_1050, %get3A_1051, %get3A_1052, %get3A_1053] : memref<1x17x40x80xf32, #tpu.memory_space<vmem>>, vector<1x1x40x80xf32>
    %get3A_1055 = vector.shape_cast %get3A_1054 : vector<1x1x40x80xf32> to vector<40x80xf32>
    %max3A_1056 = arith.constant 0.000000e+00 : f32
    %max3A_1057 = vector.broadcast %max3A_1056 : f32 to vector<40x80xf32>
    %max3A_1058 = arith.maximumf %get3A_1055, %max3A_1057 : vector<40x80xf32>
    %mul3A_1059 = arith.mulf %get3A_1055, %get3A_1049 : vector<40x80xf32>
    %sub3A_1060 = arith.subf %max3A_1058, %mul3A_1059 : vector<40x80xf32>
    %abs3A_1061 = math.absf %get3A_1055 : vector<40x80xf32>
    %neg3A_1062 = arith.constant 0.000000e+00 : f32
    %neg3A_1063 = vector.broadcast %neg3A_1062 : f32 to vector<40x80xf32>
    %neg3A_1064 = arith.subf %neg3A_1063, %abs3A_1061 : vector<40x80xf32>
    %exp3A_1065 = math.exp %neg3A_1064 : vector<40x80xf32>
    %log1p3A_1066 = math.log1p %exp3A_1065 : vector<40x80xf32>
    %add3A_1067 = arith.addf %sub3A_1060, %log1p3A_1066 : vector<40x80xf32>
    %add3A_1068 = arith.addf %add3A_984, %add3A_1067 : vector<40x80xf32>
    %gt3A_1069 = arith.constant 5.000000e-01 : f32
    %gt3A_1070 = vector.broadcast %gt3A_1069 : f32 to vector<40x80xf32>
    %gt3A_1071 = arith.cmpf ogt, %get3A_1049, %gt3A_1070 : vector<40x80xf32>
    %get3A_1072 = arith.constant 0 : index
    %get3A_1073 = arith.constant 11 : index
    %get3A_1074 = arith.constant 0 : index
    %get3A_1075 = arith.constant 0 : index
    %get3A_1076 = arith.constant 0 : index
    %get3A_1077 = vector.load %arg3[%get3A_1072, %get3A_1073, %get3A_1074, %get3A_1075, %get3A_1076] : memref<1x17x2x40x80xf32, #tpu.memory_space<vmem>>, vector<1x1x1x40x80xf32>
    %get3A_1078 = vector.shape_cast %get3A_1077 : vector<1x1x1x40x80xf32> to vector<40x80xf32>
    %get3A_1079 = arith.constant 0 : index
    %get3A_1080 = arith.constant 11 : index
    %get3A_1081 = arith.constant 0 : index
    %get3A_1082 = arith.constant 0 : index
    %get3A_1083 = arith.constant 0 : index
    %get3A_1084 = vector.load %arg6[%get3A_1079, %get3A_1080, %get3A_1081, %get3A_1082, %get3A_1083] : memref<1x17x2x40x80xf32, #tpu.memory_space<vmem>>, vector<1x1x1x40x80xf32>
    %get3A_1085 = vector.shape_cast %get3A_1084 : vector<1x1x1x40x80xf32> to vector<40x80xf32>
    %sub3A_1086 = arith.subf %get3A_1078, %get3A_1085 : vector<40x80xf32>
    %integer_pow3A_1087 = arith.mulf %sub3A_1086, %sub3A_1086 : vector<40x80xf32>
    %get3A_1088 = arith.constant 0 : index
    %get3A_1089 = arith.constant 11 : index
    %get3A_1090 = arith.constant 1 : index
    %get3A_1091 = arith.constant 0 : index
    %get3A_1092 = arith.constant 0 : index
    %get3A_1093 = vector.load %arg3[%get3A_1088, %get3A_1089, %get3A_1090, %get3A_1091, %get3A_1092] : memref<1x17x2x40x80xf32, #tpu.memory_space<vmem>>, vector<1x1x1x40x80xf32>
    %get3A_1094 = vector.shape_cast %get3A_1093 : vector<1x1x1x40x80xf32> to vector<40x80xf32>
    %get3A_1095 = arith.constant 0 : index
    %get3A_1096 = arith.constant 11 : index
    %get3A_1097 = arith.constant 1 : index
    %get3A_1098 = arith.constant 0 : index
    %get3A_1099 = arith.constant 0 : index
    %get3A_1100 = vector.load %arg6[%get3A_1095, %get3A_1096, %get3A_1097, %get3A_1098, %get3A_1099] : memref<1x17x2x40x80xf32, #tpu.memory_space<vmem>>, vector<1x1x1x40x80xf32>
    %get3A_1101 = vector.shape_cast %get3A_1100 : vector<1x1x1x40x80xf32> to vector<40x80xf32>
    %sub3A_1102 = arith.subf %get3A_1094, %get3A_1101 : vector<40x80xf32>
    %integer_pow3A_1103 = arith.mulf %sub3A_1102, %sub3A_1102 : vector<40x80xf32>
    %add3A_1104 = arith.addf %integer_pow3A_1087, %integer_pow3A_1103 : vector<40x80xf32>
    %jit3A_1105 = arith.constant 1.000000e+00 : f32
    %broadcast_in_dim3A_1106 = vector.broadcast %jit3A_1105 : f32 to vector<40x80xf32>
    %select_n3A_1107 = arith.select %gt3A_1071, %add3A_1104, %broadcast_in_dim3A_1106 : vector<40x80xi1>, vector<40x80xf32>
    %sqrt3A_1108 = math.sqrt %select_n3A_1107 : vector<40x80xf32>
    %get3A_1109 = arith.constant 0 : index
    %get3A_1110 = arith.constant 11 : index
    %get3A_1111 = arith.constant 0 : index
    %get3A_1112 = arith.constant 0 : index
    %get3A_1113 = vector.load %arg4[%get3A_1109, %get3A_1110, %get3A_1111, %get3A_1112] : memref<1x17x40x80xf32, #tpu.memory_space<vmem>>, vector<1x1x40x80xf32>
    %get3A_1114 = vector.shape_cast %get3A_1113 : vector<1x1x40x80xf32> to vector<40x80xf32>
    %add3A_1115 = arith.constant 6.940000e-01 : f32
    %add3A_1116 = vector.broadcast %add3A_1115 : f32 to vector<40x80xf32>
    %add3A_1117 = arith.addf %add3A_1116, %get3A_1114 : vector<40x80xf32>
    %neg3A_1118 = arith.constant 0.000000e+00 : f32
    %neg3A_1119 = vector.broadcast %neg3A_1118 : f32 to vector<40x80xf32>
    %neg3A_1120 = arith.subf %neg3A_1119, %get3A_1114 : vector<40x80xf32>
    %exp3A_1121 = math.exp %neg3A_1120 : vector<40x80xf32>
    %mul3A_1122 = arith.mulf %sqrt3A_1108, %exp3A_1121 : vector<40x80xf32>
    %add3A_1123 = arith.addf %add3A_1117, %mul3A_1122 : vector<40x80xf32>
    %jit3A_1124 = arith.constant 0.000000e+00 : f32
    %broadcast_in_dim3A_1125 = vector.broadcast %jit3A_1124 : f32 to vector<40x80xf32>
    %select_n3A_1126 = arith.select %gt3A_1071, %add3A_1123, %broadcast_in_dim3A_1125 : vector<40x80xi1>, vector<40x80xf32>
    %add3A_1127 = arith.addf %add3A_1043, %select_n3A_1126 : vector<40x80xf32>
    %get3A_1128 = arith.constant 0 : index
    %get3A_1129 = arith.constant 12 : index
    %get3A_1130 = arith.constant 0 : index
    %get3A_1131 = arith.constant 0 : index
    %get3A_1132 = vector.load %arg5[%get3A_1128, %get3A_1129, %get3A_1130, %get3A_1131] : memref<1x18x40x80xf32, #tpu.memory_space<vmem>>, vector<1x1x40x80xf32>
    %get3A_1133 = vector.shape_cast %get3A_1132 : vector<1x1x40x80xf32> to vector<40x80xf32>
    %get3A_1134 = arith.constant 0 : index
    %get3A_1135 = arith.constant 12 : index
    %get3A_1136 = arith.constant 0 : index
    %get3A_1137 = arith.constant 0 : index
    %get3A_1138 = vector.load %arg2[%get3A_1134, %get3A_1135, %get3A_1136, %get3A_1137] : memref<1x17x40x80xf32, #tpu.memory_space<vmem>>, vector<1x1x40x80xf32>
    %get3A_1139 = vector.shape_cast %get3A_1138 : vector<1x1x40x80xf32> to vector<40x80xf32>
    %max3A_1140 = arith.constant 0.000000e+00 : f32
    %max3A_1141 = vector.broadcast %max3A_1140 : f32 to vector<40x80xf32>
    %max3A_1142 = arith.maximumf %get3A_1139, %max3A_1141 : vector<40x80xf32>
    %mul3A_1143 = arith.mulf %get3A_1139, %get3A_1133 : vector<40x80xf32>
    %sub3A_1144 = arith.subf %max3A_1142, %mul3A_1143 : vector<40x80xf32>
    %abs3A_1145 = math.absf %get3A_1139 : vector<40x80xf32>
    %neg3A_1146 = arith.constant 0.000000e+00 : f32
    %neg3A_1147 = vector.broadcast %neg3A_1146 : f32 to vector<40x80xf32>
    %neg3A_1148 = arith.subf %neg3A_1147, %abs3A_1145 : vector<40x80xf32>
    %exp3A_1149 = math.exp %neg3A_1148 : vector<40x80xf32>
    %log1p3A_1150 = math.log1p %exp3A_1149 : vector<40x80xf32>
    %add3A_1151 = arith.addf %sub3A_1144, %log1p3A_1150 : vector<40x80xf32>
    %add3A_1152 = arith.addf %add3A_1068, %add3A_1151 : vector<40x80xf32>
    %gt3A_1153 = arith.constant 5.000000e-01 : f32
    %gt3A_1154 = vector.broadcast %gt3A_1153 : f32 to vector<40x80xf32>
    %gt3A_1155 = arith.cmpf ogt, %get3A_1133, %gt3A_1154 : vector<40x80xf32>
    %get3A_1156 = arith.constant 0 : index
    %get3A_1157 = arith.constant 12 : index
    %get3A_1158 = arith.constant 0 : index
    %get3A_1159 = arith.constant 0 : index
    %get3A_1160 = arith.constant 0 : index
    %get3A_1161 = vector.load %arg3[%get3A_1156, %get3A_1157, %get3A_1158, %get3A_1159, %get3A_1160] : memref<1x17x2x40x80xf32, #tpu.memory_space<vmem>>, vector<1x1x1x40x80xf32>
    %get3A_1162 = vector.shape_cast %get3A_1161 : vector<1x1x1x40x80xf32> to vector<40x80xf32>
    %get3A_1163 = arith.constant 0 : index
    %get3A_1164 = arith.constant 12 : index
    %get3A_1165 = arith.constant 0 : index
    %get3A_1166 = arith.constant 0 : index
    %get3A_1167 = arith.constant 0 : index
    %get3A_1168 = vector.load %arg6[%get3A_1163, %get3A_1164, %get3A_1165, %get3A_1166, %get3A_1167] : memref<1x17x2x40x80xf32, #tpu.memory_space<vmem>>, vector<1x1x1x40x80xf32>
    %get3A_1169 = vector.shape_cast %get3A_1168 : vector<1x1x1x40x80xf32> to vector<40x80xf32>
    %sub3A_1170 = arith.subf %get3A_1162, %get3A_1169 : vector<40x80xf32>
    %integer_pow3A_1171 = arith.mulf %sub3A_1170, %sub3A_1170 : vector<40x80xf32>
    %get3A_1172 = arith.constant 0 : index
    %get3A_1173 = arith.constant 12 : index
    %get3A_1174 = arith.constant 1 : index
    %get3A_1175 = arith.constant 0 : index
    %get3A_1176 = arith.constant 0 : index
    %get3A_1177 = vector.load %arg3[%get3A_1172, %get3A_1173, %get3A_1174, %get3A_1175, %get3A_1176] : memref<1x17x2x40x80xf32, #tpu.memory_space<vmem>>, vector<1x1x1x40x80xf32>
    %get3A_1178 = vector.shape_cast %get3A_1177 : vector<1x1x1x40x80xf32> to vector<40x80xf32>
    %get3A_1179 = arith.constant 0 : index
    %get3A_1180 = arith.constant 12 : index
    %get3A_1181 = arith.constant 1 : index
    %get3A_1182 = arith.constant 0 : index
    %get3A_1183 = arith.constant 0 : index
    %get3A_1184 = vector.load %arg6[%get3A_1179, %get3A_1180, %get3A_1181, %get3A_1182, %get3A_1183] : memref<1x17x2x40x80xf32, #tpu.memory_space<vmem>>, vector<1x1x1x40x80xf32>
    %get3A_1185 = vector.shape_cast %get3A_1184 : vector<1x1x1x40x80xf32> to vector<40x80xf32>
    %sub3A_1186 = arith.subf %get3A_1178, %get3A_1185 : vector<40x80xf32>
    %integer_pow3A_1187 = arith.mulf %sub3A_1186, %sub3A_1186 : vector<40x80xf32>
    %add3A_1188 = arith.addf %integer_pow3A_1171, %integer_pow3A_1187 : vector<40x80xf32>
    %jit3A_1189 = arith.constant 1.000000e+00 : f32
    %broadcast_in_dim3A_1190 = vector.broadcast %jit3A_1189 : f32 to vector<40x80xf32>
    %select_n3A_1191 = arith.select %gt3A_1155, %add3A_1188, %broadcast_in_dim3A_1190 : vector<40x80xi1>, vector<40x80xf32>
    %sqrt3A_1192 = math.sqrt %select_n3A_1191 : vector<40x80xf32>
    %get3A_1193 = arith.constant 0 : index
    %get3A_1194 = arith.constant 12 : index
    %get3A_1195 = arith.constant 0 : index
    %get3A_1196 = arith.constant 0 : index
    %get3A_1197 = vector.load %arg4[%get3A_1193, %get3A_1194, %get3A_1195, %get3A_1196] : memref<1x17x40x80xf32, #tpu.memory_space<vmem>>, vector<1x1x40x80xf32>
    %get3A_1198 = vector.shape_cast %get3A_1197 : vector<1x1x40x80xf32> to vector<40x80xf32>
    %add3A_1199 = arith.constant 6.940000e-01 : f32
    %add3A_1200 = vector.broadcast %add3A_1199 : f32 to vector<40x80xf32>
    %add3A_1201 = arith.addf %add3A_1200, %get3A_1198 : vector<40x80xf32>
    %neg3A_1202 = arith.constant 0.000000e+00 : f32
    %neg3A_1203 = vector.broadcast %neg3A_1202 : f32 to vector<40x80xf32>
    %neg3A_1204 = arith.subf %neg3A_1203, %get3A_1198 : vector<40x80xf32>
    %exp3A_1205 = math.exp %neg3A_1204 : vector<40x80xf32>
    %mul3A_1206 = arith.mulf %sqrt3A_1192, %exp3A_1205 : vector<40x80xf32>
    %add3A_1207 = arith.addf %add3A_1201, %mul3A_1206 : vector<40x80xf32>
    %jit3A_1208 = arith.constant 0.000000e+00 : f32
    %broadcast_in_dim3A_1209 = vector.broadcast %jit3A_1208 : f32 to vector<40x80xf32>
    %select_n3A_1210 = arith.select %gt3A_1155, %add3A_1207, %broadcast_in_dim3A_1209 : vector<40x80xi1>, vector<40x80xf32>
    %add3A_1211 = arith.addf %add3A_1127, %select_n3A_1210 : vector<40x80xf32>
    %get3A_1212 = arith.constant 0 : index
    %get3A_1213 = arith.constant 13 : index
    %get3A_1214 = arith.constant 0 : index
    %get3A_1215 = arith.constant 0 : index
    %get3A_1216 = vector.load %arg5[%get3A_1212, %get3A_1213, %get3A_1214, %get3A_1215] : memref<1x18x40x80xf32, #tpu.memory_space<vmem>>, vector<1x1x40x80xf32>
    %get3A_1217 = vector.shape_cast %get3A_1216 : vector<1x1x40x80xf32> to vector<40x80xf32>
    %get3A_1218 = arith.constant 0 : index
    %get3A_1219 = arith.constant 13 : index
    %get3A_1220 = arith.constant 0 : index
    %get3A_1221 = arith.constant 0 : index
    %get3A_1222 = vector.load %arg2[%get3A_1218, %get3A_1219, %get3A_1220, %get3A_1221] : memref<1x17x40x80xf32, #tpu.memory_space<vmem>>, vector<1x1x40x80xf32>
    %get3A_1223 = vector.shape_cast %get3A_1222 : vector<1x1x40x80xf32> to vector<40x80xf32>
    %max3A_1224 = arith.constant 0.000000e+00 : f32
    %max3A_1225 = vector.broadcast %max3A_1224 : f32 to vector<40x80xf32>
    %max3A_1226 = arith.maximumf %get3A_1223, %max3A_1225 : vector<40x80xf32>
    %mul3A_1227 = arith.mulf %get3A_1223, %get3A_1217 : vector<40x80xf32>
    %sub3A_1228 = arith.subf %max3A_1226, %mul3A_1227 : vector<40x80xf32>
    %abs3A_1229 = math.absf %get3A_1223 : vector<40x80xf32>
    %neg3A_1230 = arith.constant 0.000000e+00 : f32
    %neg3A_1231 = vector.broadcast %neg3A_1230 : f32 to vector<40x80xf32>
    %neg3A_1232 = arith.subf %neg3A_1231, %abs3A_1229 : vector<40x80xf32>
    %exp3A_1233 = math.exp %neg3A_1232 : vector<40x80xf32>
    %log1p3A_1234 = math.log1p %exp3A_1233 : vector<40x80xf32>
    %add3A_1235 = arith.addf %sub3A_1228, %log1p3A_1234 : vector<40x80xf32>
    %add3A_1236 = arith.addf %add3A_1152, %add3A_1235 : vector<40x80xf32>
    %gt3A_1237 = arith.constant 5.000000e-01 : f32
    %gt3A_1238 = vector.broadcast %gt3A_1237 : f32 to vector<40x80xf32>
    %gt3A_1239 = arith.cmpf ogt, %get3A_1217, %gt3A_1238 : vector<40x80xf32>
    %get3A_1240 = arith.constant 0 : index
    %get3A_1241 = arith.constant 13 : index
    %get3A_1242 = arith.constant 0 : index
    %get3A_1243 = arith.constant 0 : index
    %get3A_1244 = arith.constant 0 : index
    %get3A_1245 = vector.load %arg3[%get3A_1240, %get3A_1241, %get3A_1242, %get3A_1243, %get3A_1244] : memref<1x17x2x40x80xf32, #tpu.memory_space<vmem>>, vector<1x1x1x40x80xf32>
    %get3A_1246 = vector.shape_cast %get3A_1245 : vector<1x1x1x40x80xf32> to vector<40x80xf32>
    %get3A_1247 = arith.constant 0 : index
    %get3A_1248 = arith.constant 13 : index
    %get3A_1249 = arith.constant 0 : index
    %get3A_1250 = arith.constant 0 : index
    %get3A_1251 = arith.constant 0 : index
    %get3A_1252 = vector.load %arg6[%get3A_1247, %get3A_1248, %get3A_1249, %get3A_1250, %get3A_1251] : memref<1x17x2x40x80xf32, #tpu.memory_space<vmem>>, vector<1x1x1x40x80xf32>
    %get3A_1253 = vector.shape_cast %get3A_1252 : vector<1x1x1x40x80xf32> to vector<40x80xf32>
    %sub3A_1254 = arith.subf %get3A_1246, %get3A_1253 : vector<40x80xf32>
    %integer_pow3A_1255 = arith.mulf %sub3A_1254, %sub3A_1254 : vector<40x80xf32>
    %get3A_1256 = arith.constant 0 : index
    %get3A_1257 = arith.constant 13 : index
    %get3A_1258 = arith.constant 1 : index
    %get3A_1259 = arith.constant 0 : index
    %get3A_1260 = arith.constant 0 : index
    %get3A_1261 = vector.load %arg3[%get3A_1256, %get3A_1257, %get3A_1258, %get3A_1259, %get3A_1260] : memref<1x17x2x40x80xf32, #tpu.memory_space<vmem>>, vector<1x1x1x40x80xf32>
    %get3A_1262 = vector.shape_cast %get3A_1261 : vector<1x1x1x40x80xf32> to vector<40x80xf32>
    %get3A_1263 = arith.constant 0 : index
    %get3A_1264 = arith.constant 13 : index
    %get3A_1265 = arith.constant 1 : index
    %get3A_1266 = arith.constant 0 : index
    %get3A_1267 = arith.constant 0 : index
    %get3A_1268 = vector.load %arg6[%get3A_1263, %get3A_1264, %get3A_1265, %get3A_1266, %get3A_1267] : memref<1x17x2x40x80xf32, #tpu.memory_space<vmem>>, vector<1x1x1x40x80xf32>
    %get3A_1269 = vector.shape_cast %get3A_1268 : vector<1x1x1x40x80xf32> to vector<40x80xf32>
    %sub3A_1270 = arith.subf %get3A_1262, %get3A_1269 : vector<40x80xf32>
    %integer_pow3A_1271 = arith.mulf %sub3A_1270, %sub3A_1270 : vector<40x80xf32>
    %add3A_1272 = arith.addf %integer_pow3A_1255, %integer_pow3A_1271 : vector<40x80xf32>
    %jit3A_1273 = arith.constant 1.000000e+00 : f32
    %broadcast_in_dim3A_1274 = vector.broadcast %jit3A_1273 : f32 to vector<40x80xf32>
    %select_n3A_1275 = arith.select %gt3A_1239, %add3A_1272, %broadcast_in_dim3A_1274 : vector<40x80xi1>, vector<40x80xf32>
    %sqrt3A_1276 = math.sqrt %select_n3A_1275 : vector<40x80xf32>
    %get3A_1277 = arith.constant 0 : index
    %get3A_1278 = arith.constant 13 : index
    %get3A_1279 = arith.constant 0 : index
    %get3A_1280 = arith.constant 0 : index
    %get3A_1281 = vector.load %arg4[%get3A_1277, %get3A_1278, %get3A_1279, %get3A_1280] : memref<1x17x40x80xf32, #tpu.memory_space<vmem>>, vector<1x1x40x80xf32>
    %get3A_1282 = vector.shape_cast %get3A_1281 : vector<1x1x40x80xf32> to vector<40x80xf32>
    %add3A_1283 = arith.constant 6.940000e-01 : f32
    %add3A_1284 = vector.broadcast %add3A_1283 : f32 to vector<40x80xf32>
    %add3A_1285 = arith.addf %add3A_1284, %get3A_1282 : vector<40x80xf32>
    %neg3A_1286 = arith.constant 0.000000e+00 : f32
    %neg3A_1287 = vector.broadcast %neg3A_1286 : f32 to vector<40x80xf32>
    %neg3A_1288 = arith.subf %neg3A_1287, %get3A_1282 : vector<40x80xf32>
    %exp3A_1289 = math.exp %neg3A_1288 : vector<40x80xf32>
    %mul3A_1290 = arith.mulf %sqrt3A_1276, %exp3A_1289 : vector<40x80xf32>
    %add3A_1291 = arith.addf %add3A_1285, %mul3A_1290 : vector<40x80xf32>
    %jit3A_1292 = arith.constant 0.000000e+00 : f32
    %broadcast_in_dim3A_1293 = vector.broadcast %jit3A_1292 : f32 to vector<40x80xf32>
    %select_n3A_1294 = arith.select %gt3A_1239, %add3A_1291, %broadcast_in_dim3A_1293 : vector<40x80xi1>, vector<40x80xf32>
    %add3A_1295 = arith.addf %add3A_1211, %select_n3A_1294 : vector<40x80xf32>
    %get3A_1296 = arith.constant 0 : index
    %get3A_1297 = arith.constant 14 : index
    %get3A_1298 = arith.constant 0 : index
    %get3A_1299 = arith.constant 0 : index
    %get3A_1300 = vector.load %arg5[%get3A_1296, %get3A_1297, %get3A_1298, %get3A_1299] : memref<1x18x40x80xf32, #tpu.memory_space<vmem>>, vector<1x1x40x80xf32>
    %get3A_1301 = vector.shape_cast %get3A_1300 : vector<1x1x40x80xf32> to vector<40x80xf32>
    %get3A_1302 = arith.constant 0 : index
    %get3A_1303 = arith.constant 14 : index
    %get3A_1304 = arith.constant 0 : index
    %get3A_1305 = arith.constant 0 : index
    %get3A_1306 = vector.load %arg2[%get3A_1302, %get3A_1303, %get3A_1304, %get3A_1305] : memref<1x17x40x80xf32, #tpu.memory_space<vmem>>, vector<1x1x40x80xf32>
    %get3A_1307 = vector.shape_cast %get3A_1306 : vector<1x1x40x80xf32> to vector<40x80xf32>
    %max3A_1308 = arith.constant 0.000000e+00 : f32
    %max3A_1309 = vector.broadcast %max3A_1308 : f32 to vector<40x80xf32>
    %max3A_1310 = arith.maximumf %get3A_1307, %max3A_1309 : vector<40x80xf32>
    %mul3A_1311 = arith.mulf %get3A_1307, %get3A_1301 : vector<40x80xf32>
    %sub3A_1312 = arith.subf %max3A_1310, %mul3A_1311 : vector<40x80xf32>
    %abs3A_1313 = math.absf %get3A_1307 : vector<40x80xf32>
    %neg3A_1314 = arith.constant 0.000000e+00 : f32
    %neg3A_1315 = vector.broadcast %neg3A_1314 : f32 to vector<40x80xf32>
    %neg3A_1316 = arith.subf %neg3A_1315, %abs3A_1313 : vector<40x80xf32>
    %exp3A_1317 = math.exp %neg3A_1316 : vector<40x80xf32>
    %log1p3A_1318 = math.log1p %exp3A_1317 : vector<40x80xf32>
    %add3A_1319 = arith.addf %sub3A_1312, %log1p3A_1318 : vector<40x80xf32>
    %add3A_1320 = arith.addf %add3A_1236, %add3A_1319 : vector<40x80xf32>
    %gt3A_1321 = arith.constant 5.000000e-01 : f32
    %gt3A_1322 = vector.broadcast %gt3A_1321 : f32 to vector<40x80xf32>
    %gt3A_1323 = arith.cmpf ogt, %get3A_1301, %gt3A_1322 : vector<40x80xf32>
    %get3A_1324 = arith.constant 0 : index
    %get3A_1325 = arith.constant 14 : index
    %get3A_1326 = arith.constant 0 : index
    %get3A_1327 = arith.constant 0 : index
    %get3A_1328 = arith.constant 0 : index
    %get3A_1329 = vector.load %arg3[%get3A_1324, %get3A_1325, %get3A_1326, %get3A_1327, %get3A_1328] : memref<1x17x2x40x80xf32, #tpu.memory_space<vmem>>, vector<1x1x1x40x80xf32>
    %get3A_1330 = vector.shape_cast %get3A_1329 : vector<1x1x1x40x80xf32> to vector<40x80xf32>
    %get3A_1331 = arith.constant 0 : index
    %get3A_1332 = arith.constant 14 : index
    %get3A_1333 = arith.constant 0 : index
    %get3A_1334 = arith.constant 0 : index
    %get3A_1335 = arith.constant 0 : index
    %get3A_1336 = vector.load %arg6[%get3A_1331, %get3A_1332, %get3A_1333, %get3A_1334, %get3A_1335] : memref<1x17x2x40x80xf32, #tpu.memory_space<vmem>>, vector<1x1x1x40x80xf32>
    %get3A_1337 = vector.shape_cast %get3A_1336 : vector<1x1x1x40x80xf32> to vector<40x80xf32>
    %sub3A_1338 = arith.subf %get3A_1330, %get3A_1337 : vector<40x80xf32>
    %integer_pow3A_1339 = arith.mulf %sub3A_1338, %sub3A_1338 : vector<40x80xf32>
    %get3A_1340 = arith.constant 0 : index
    %get3A_1341 = arith.constant 14 : index
    %get3A_1342 = arith.constant 1 : index
    %get3A_1343 = arith.constant 0 : index
    %get3A_1344 = arith.constant 0 : index
    %get3A_1345 = vector.load %arg3[%get3A_1340, %get3A_1341, %get3A_1342, %get3A_1343, %get3A_1344] : memref<1x17x2x40x80xf32, #tpu.memory_space<vmem>>, vector<1x1x1x40x80xf32>
    %get3A_1346 = vector.shape_cast %get3A_1345 : vector<1x1x1x40x80xf32> to vector<40x80xf32>
    %get3A_1347 = arith.constant 0 : index
    %get3A_1348 = arith.constant 14 : index
    %get3A_1349 = arith.constant 1 : index
    %get3A_1350 = arith.constant 0 : index
    %get3A_1351 = arith.constant 0 : index
    %get3A_1352 = vector.load %arg6[%get3A_1347, %get3A_1348, %get3A_1349, %get3A_1350, %get3A_1351] : memref<1x17x2x40x80xf32, #tpu.memory_space<vmem>>, vector<1x1x1x40x80xf32>
    %get3A_1353 = vector.shape_cast %get3A_1352 : vector<1x1x1x40x80xf32> to vector<40x80xf32>
    %sub3A_1354 = arith.subf %get3A_1346, %get3A_1353 : vector<40x80xf32>
    %integer_pow3A_1355 = arith.mulf %sub3A_1354, %sub3A_1354 : vector<40x80xf32>
    %add3A_1356 = arith.addf %integer_pow3A_1339, %integer_pow3A_1355 : vector<40x80xf32>
    %jit3A_1357 = arith.constant 1.000000e+00 : f32
    %broadcast_in_dim3A_1358 = vector.broadcast %jit3A_1357 : f32 to vector<40x80xf32>
    %select_n3A_1359 = arith.select %gt3A_1323, %add3A_1356, %broadcast_in_dim3A_1358 : vector<40x80xi1>, vector<40x80xf32>
    %sqrt3A_1360 = math.sqrt %select_n3A_1359 : vector<40x80xf32>
    %get3A_1361 = arith.constant 0 : index
    %get3A_1362 = arith.constant 14 : index
    %get3A_1363 = arith.constant 0 : index
    %get3A_1364 = arith.constant 0 : index
    %get3A_1365 = vector.load %arg4[%get3A_1361, %get3A_1362, %get3A_1363, %get3A_1364] : memref<1x17x40x80xf32, #tpu.memory_space<vmem>>, vector<1x1x40x80xf32>
    %get3A_1366 = vector.shape_cast %get3A_1365 : vector<1x1x40x80xf32> to vector<40x80xf32>
    %add3A_1367 = arith.constant 6.940000e-01 : f32
    %add3A_1368 = vector.broadcast %add3A_1367 : f32 to vector<40x80xf32>
    %add3A_1369 = arith.addf %add3A_1368, %get3A_1366 : vector<40x80xf32>
    %neg3A_1370 = arith.constant 0.000000e+00 : f32
    %neg3A_1371 = vector.broadcast %neg3A_1370 : f32 to vector<40x80xf32>
    %neg3A_1372 = arith.subf %neg3A_1371, %get3A_1366 : vector<40x80xf32>
    %exp3A_1373 = math.exp %neg3A_1372 : vector<40x80xf32>
    %mul3A_1374 = arith.mulf %sqrt3A_1360, %exp3A_1373 : vector<40x80xf32>
    %add3A_1375 = arith.addf %add3A_1369, %mul3A_1374 : vector<40x80xf32>
    %jit3A_1376 = arith.constant 0.000000e+00 : f32
    %broadcast_in_dim3A_1377 = vector.broadcast %jit3A_1376 : f32 to vector<40x80xf32>
    %select_n3A_1378 = arith.select %gt3A_1323, %add3A_1375, %broadcast_in_dim3A_1377 : vector<40x80xi1>, vector<40x80xf32>
    %add3A_1379 = arith.addf %add3A_1295, %select_n3A_1378 : vector<40x80xf32>
    %get3A_1380 = arith.constant 0 : index
    %get3A_1381 = arith.constant 15 : index
    %get3A_1382 = arith.constant 0 : index
    %get3A_1383 = arith.constant 0 : index
    %get3A_1384 = vector.load %arg5[%get3A_1380, %get3A_1381, %get3A_1382, %get3A_1383] : memref<1x18x40x80xf32, #tpu.memory_space<vmem>>, vector<1x1x40x80xf32>
    %get3A_1385 = vector.shape_cast %get3A_1384 : vector<1x1x40x80xf32> to vector<40x80xf32>
    %get3A_1386 = arith.constant 0 : index
    %get3A_1387 = arith.constant 15 : index
    %get3A_1388 = arith.constant 0 : index
    %get3A_1389 = arith.constant 0 : index
    %get3A_1390 = vector.load %arg2[%get3A_1386, %get3A_1387, %get3A_1388, %get3A_1389] : memref<1x17x40x80xf32, #tpu.memory_space<vmem>>, vector<1x1x40x80xf32>
    %get3A_1391 = vector.shape_cast %get3A_1390 : vector<1x1x40x80xf32> to vector<40x80xf32>
    %max3A_1392 = arith.constant 0.000000e+00 : f32
    %max3A_1393 = vector.broadcast %max3A_1392 : f32 to vector<40x80xf32>
    %max3A_1394 = arith.maximumf %get3A_1391, %max3A_1393 : vector<40x80xf32>
    %mul3A_1395 = arith.mulf %get3A_1391, %get3A_1385 : vector<40x80xf32>
    %sub3A_1396 = arith.subf %max3A_1394, %mul3A_1395 : vector<40x80xf32>
    %abs3A_1397 = math.absf %get3A_1391 : vector<40x80xf32>
    %neg3A_1398 = arith.constant 0.000000e+00 : f32
    %neg3A_1399 = vector.broadcast %neg3A_1398 : f32 to vector<40x80xf32>
    %neg3A_1400 = arith.subf %neg3A_1399, %abs3A_1397 : vector<40x80xf32>
    %exp3A_1401 = math.exp %neg3A_1400 : vector<40x80xf32>
    %log1p3A_1402 = math.log1p %exp3A_1401 : vector<40x80xf32>
    %add3A_1403 = arith.addf %sub3A_1396, %log1p3A_1402 : vector<40x80xf32>
    %add3A_1404 = arith.addf %add3A_1320, %add3A_1403 : vector<40x80xf32>
    %gt3A_1405 = arith.constant 5.000000e-01 : f32
    %gt3A_1406 = vector.broadcast %gt3A_1405 : f32 to vector<40x80xf32>
    %gt3A_1407 = arith.cmpf ogt, %get3A_1385, %gt3A_1406 : vector<40x80xf32>
    %get3A_1408 = arith.constant 0 : index
    %get3A_1409 = arith.constant 15 : index
    %get3A_1410 = arith.constant 0 : index
    %get3A_1411 = arith.constant 0 : index
    %get3A_1412 = arith.constant 0 : index
    %get3A_1413 = vector.load %arg3[%get3A_1408, %get3A_1409, %get3A_1410, %get3A_1411, %get3A_1412] : memref<1x17x2x40x80xf32, #tpu.memory_space<vmem>>, vector<1x1x1x40x80xf32>
    %get3A_1414 = vector.shape_cast %get3A_1413 : vector<1x1x1x40x80xf32> to vector<40x80xf32>
    %get3A_1415 = arith.constant 0 : index
    %get3A_1416 = arith.constant 15 : index
    %get3A_1417 = arith.constant 0 : index
    %get3A_1418 = arith.constant 0 : index
    %get3A_1419 = arith.constant 0 : index
    %get3A_1420 = vector.load %arg6[%get3A_1415, %get3A_1416, %get3A_1417, %get3A_1418, %get3A_1419] : memref<1x17x2x40x80xf32, #tpu.memory_space<vmem>>, vector<1x1x1x40x80xf32>
    %get3A_1421 = vector.shape_cast %get3A_1420 : vector<1x1x1x40x80xf32> to vector<40x80xf32>
    %sub3A_1422 = arith.subf %get3A_1414, %get3A_1421 : vector<40x80xf32>
    %integer_pow3A_1423 = arith.mulf %sub3A_1422, %sub3A_1422 : vector<40x80xf32>
    %get3A_1424 = arith.constant 0 : index
    %get3A_1425 = arith.constant 15 : index
    %get3A_1426 = arith.constant 1 : index
    %get3A_1427 = arith.constant 0 : index
    %get3A_1428 = arith.constant 0 : index
    %get3A_1429 = vector.load %arg3[%get3A_1424, %get3A_1425, %get3A_1426, %get3A_1427, %get3A_1428] : memref<1x17x2x40x80xf32, #tpu.memory_space<vmem>>, vector<1x1x1x40x80xf32>
    %get3A_1430 = vector.shape_cast %get3A_1429 : vector<1x1x1x40x80xf32> to vector<40x80xf32>
    %get3A_1431 = arith.constant 0 : index
    %get3A_1432 = arith.constant 15 : index
    %get3A_1433 = arith.constant 1 : index
    %get3A_1434 = arith.constant 0 : index
    %get3A_1435 = arith.constant 0 : index
    %get3A_1436 = vector.load %arg6[%get3A_1431, %get3A_1432, %get3A_1433, %get3A_1434, %get3A_1435] : memref<1x17x2x40x80xf32, #tpu.memory_space<vmem>>, vector<1x1x1x40x80xf32>
    %get3A_1437 = vector.shape_cast %get3A_1436 : vector<1x1x1x40x80xf32> to vector<40x80xf32>
    %sub3A_1438 = arith.subf %get3A_1430, %get3A_1437 : vector<40x80xf32>
    %integer_pow3A_1439 = arith.mulf %sub3A_1438, %sub3A_1438 : vector<40x80xf32>
    %add3A_1440 = arith.addf %integer_pow3A_1423, %integer_pow3A_1439 : vector<40x80xf32>
    %jit3A_1441 = arith.constant 1.000000e+00 : f32
    %broadcast_in_dim3A_1442 = vector.broadcast %jit3A_1441 : f32 to vector<40x80xf32>
    %select_n3A_1443 = arith.select %gt3A_1407, %add3A_1440, %broadcast_in_dim3A_1442 : vector<40x80xi1>, vector<40x80xf32>
    %sqrt3A_1444 = math.sqrt %select_n3A_1443 : vector<40x80xf32>
    %get3A_1445 = arith.constant 0 : index
    %get3A_1446 = arith.constant 15 : index
    %get3A_1447 = arith.constant 0 : index
    %get3A_1448 = arith.constant 0 : index
    %get3A_1449 = vector.load %arg4[%get3A_1445, %get3A_1446, %get3A_1447, %get3A_1448] : memref<1x17x40x80xf32, #tpu.memory_space<vmem>>, vector<1x1x40x80xf32>
    %get3A_1450 = vector.shape_cast %get3A_1449 : vector<1x1x40x80xf32> to vector<40x80xf32>
    %add3A_1451 = arith.constant 6.940000e-01 : f32
    %add3A_1452 = vector.broadcast %add3A_1451 : f32 to vector<40x80xf32>
    %add3A_1453 = arith.addf %add3A_1452, %get3A_1450 : vector<40x80xf32>
    %neg3A_1454 = arith.constant 0.000000e+00 : f32
    %neg3A_1455 = vector.broadcast %neg3A_1454 : f32 to vector<40x80xf32>
    %neg3A_1456 = arith.subf %neg3A_1455, %get3A_1450 : vector<40x80xf32>
    %exp3A_1457 = math.exp %neg3A_1456 : vector<40x80xf32>
    %mul3A_1458 = arith.mulf %sqrt3A_1444, %exp3A_1457 : vector<40x80xf32>
    %add3A_1459 = arith.addf %add3A_1453, %mul3A_1458 : vector<40x80xf32>
    %jit3A_1460 = arith.constant 0.000000e+00 : f32
    %broadcast_in_dim3A_1461 = vector.broadcast %jit3A_1460 : f32 to vector<40x80xf32>
    %select_n3A_1462 = arith.select %gt3A_1407, %add3A_1459, %broadcast_in_dim3A_1461 : vector<40x80xi1>, vector<40x80xf32>
    %add3A_1463 = arith.addf %add3A_1379, %select_n3A_1462 : vector<40x80xf32>
    %get3A_1464 = arith.constant 0 : index
    %get3A_1465 = arith.constant 16 : index
    %get3A_1466 = arith.constant 0 : index
    %get3A_1467 = arith.constant 0 : index
    %get3A_1468 = vector.load %arg5[%get3A_1464, %get3A_1465, %get3A_1466, %get3A_1467] : memref<1x18x40x80xf32, #tpu.memory_space<vmem>>, vector<1x1x40x80xf32>
    %get3A_1469 = vector.shape_cast %get3A_1468 : vector<1x1x40x80xf32> to vector<40x80xf32>
    %get3A_1470 = arith.constant 0 : index
    %get3A_1471 = arith.constant 16 : index
    %get3A_1472 = arith.constant 0 : index
    %get3A_1473 = arith.constant 0 : index
    %get3A_1474 = vector.load %arg2[%get3A_1470, %get3A_1471, %get3A_1472, %get3A_1473] : memref<1x17x40x80xf32, #tpu.memory_space<vmem>>, vector<1x1x40x80xf32>
    %get3A_1475 = vector.shape_cast %get3A_1474 : vector<1x1x40x80xf32> to vector<40x80xf32>
    %max3A_1476 = arith.constant 0.000000e+00 : f32
    %max3A_1477 = vector.broadcast %max3A_1476 : f32 to vector<40x80xf32>
    %max3A_1478 = arith.maximumf %get3A_1475, %max3A_1477 : vector<40x80xf32>
    %mul3A_1479 = arith.mulf %get3A_1475, %get3A_1469 : vector<40x80xf32>
    %sub3A_1480 = arith.subf %max3A_1478, %mul3A_1479 : vector<40x80xf32>
    %abs3A_1481 = math.absf %get3A_1475 : vector<40x80xf32>
    %neg3A_1482 = arith.constant 0.000000e+00 : f32
    %neg3A_1483 = vector.broadcast %neg3A_1482 : f32 to vector<40x80xf32>
    %neg3A_1484 = arith.subf %neg3A_1483, %abs3A_1481 : vector<40x80xf32>
    %exp3A_1485 = math.exp %neg3A_1484 : vector<40x80xf32>
    %log1p3A_1486 = math.log1p %exp3A_1485 : vector<40x80xf32>
    %add3A_1487 = arith.addf %sub3A_1480, %log1p3A_1486 : vector<40x80xf32>
    %add3A_1488 = arith.addf %add3A_1404, %add3A_1487 : vector<40x80xf32>
    %gt3A_1489 = arith.constant 5.000000e-01 : f32
    %gt3A_1490 = vector.broadcast %gt3A_1489 : f32 to vector<40x80xf32>
    %gt3A_1491 = arith.cmpf ogt, %get3A_1469, %gt3A_1490 : vector<40x80xf32>
    %get3A_1492 = arith.constant 0 : index
    %get3A_1493 = arith.constant 16 : index
    %get3A_1494 = arith.constant 0 : index
    %get3A_1495 = arith.constant 0 : index
    %get3A_1496 = arith.constant 0 : index
    %get3A_1497 = vector.load %arg3[%get3A_1492, %get3A_1493, %get3A_1494, %get3A_1495, %get3A_1496] : memref<1x17x2x40x80xf32, #tpu.memory_space<vmem>>, vector<1x1x1x40x80xf32>
    %get3A_1498 = vector.shape_cast %get3A_1497 : vector<1x1x1x40x80xf32> to vector<40x80xf32>
    %get3A_1499 = arith.constant 0 : index
    %get3A_1500 = arith.constant 16 : index
    %get3A_1501 = arith.constant 0 : index
    %get3A_1502 = arith.constant 0 : index
    %get3A_1503 = arith.constant 0 : index
    %get3A_1504 = vector.load %arg6[%get3A_1499, %get3A_1500, %get3A_1501, %get3A_1502, %get3A_1503] : memref<1x17x2x40x80xf32, #tpu.memory_space<vmem>>, vector<1x1x1x40x80xf32>
    %get3A_1505 = vector.shape_cast %get3A_1504 : vector<1x1x1x40x80xf32> to vector<40x80xf32>
    %sub3A_1506 = arith.subf %get3A_1498, %get3A_1505 : vector<40x80xf32>
    %integer_pow3A_1507 = arith.mulf %sub3A_1506, %sub3A_1506 : vector<40x80xf32>
    %get3A_1508 = arith.constant 0 : index
    %get3A_1509 = arith.constant 16 : index
    %get3A_1510 = arith.constant 1 : index
    %get3A_1511 = arith.constant 0 : index
    %get3A_1512 = arith.constant 0 : index
    %get3A_1513 = vector.load %arg3[%get3A_1508, %get3A_1509, %get3A_1510, %get3A_1511, %get3A_1512] : memref<1x17x2x40x80xf32, #tpu.memory_space<vmem>>, vector<1x1x1x40x80xf32>
    %get3A_1514 = vector.shape_cast %get3A_1513 : vector<1x1x1x40x80xf32> to vector<40x80xf32>
    %get3A_1515 = arith.constant 0 : index
    %get3A_1516 = arith.constant 16 : index
    %get3A_1517 = arith.constant 1 : index
    %get3A_1518 = arith.constant 0 : index
    %get3A_1519 = arith.constant 0 : index
    %get3A_1520 = vector.load %arg6[%get3A_1515, %get3A_1516, %get3A_1517, %get3A_1518, %get3A_1519] : memref<1x17x2x40x80xf32, #tpu.memory_space<vmem>>, vector<1x1x1x40x80xf32>
    %get3A_1521 = vector.shape_cast %get3A_1520 : vector<1x1x1x40x80xf32> to vector<40x80xf32>
    %sub3A_1522 = arith.subf %get3A_1514, %get3A_1521 : vector<40x80xf32>
    %integer_pow3A_1523 = arith.mulf %sub3A_1522, %sub3A_1522 : vector<40x80xf32>
    %add3A_1524 = arith.addf %integer_pow3A_1507, %integer_pow3A_1523 : vector<40x80xf32>
    %jit3A_1525 = arith.constant 1.000000e+00 : f32
    %broadcast_in_dim3A_1526 = vector.broadcast %jit3A_1525 : f32 to vector<40x80xf32>
    %select_n3A_1527 = arith.select %gt3A_1491, %add3A_1524, %broadcast_in_dim3A_1526 : vector<40x80xi1>, vector<40x80xf32>
    %sqrt3A_1528 = math.sqrt %select_n3A_1527 : vector<40x80xf32>
    %get3A_1529 = arith.constant 0 : index
    %get3A_1530 = arith.constant 16 : index
    %get3A_1531 = arith.constant 0 : index
    %get3A_1532 = arith.constant 0 : index
    %get3A_1533 = vector.load %arg4[%get3A_1529, %get3A_1530, %get3A_1531, %get3A_1532] : memref<1x17x40x80xf32, #tpu.memory_space<vmem>>, vector<1x1x40x80xf32>
    %get3A_1534 = vector.shape_cast %get3A_1533 : vector<1x1x40x80xf32> to vector<40x80xf32>
    %add3A_1535 = arith.constant 6.940000e-01 : f32
    %add3A_1536 = vector.broadcast %add3A_1535 : f32 to vector<40x80xf32>
    %add3A_1537 = arith.addf %add3A_1536, %get3A_1534 : vector<40x80xf32>
    %neg3A_1538 = arith.constant 0.000000e+00 : f32
    %neg3A_1539 = vector.broadcast %neg3A_1538 : f32 to vector<40x80xf32>
    %neg3A_1540 = arith.subf %neg3A_1539, %get3A_1534 : vector<40x80xf32>
    %exp3A_1541 = math.exp %neg3A_1540 : vector<40x80xf32>
    %mul3A_1542 = arith.mulf %sqrt3A_1528, %exp3A_1541 : vector<40x80xf32>
    %add3A_1543 = arith.addf %add3A_1537, %mul3A_1542 : vector<40x80xf32>
    %jit3A_1544 = arith.constant 0.000000e+00 : f32
    %broadcast_in_dim3A_1545 = vector.broadcast %jit3A_1544 : f32 to vector<40x80xf32>
    %select_n3A_1546 = arith.select %gt3A_1491, %add3A_1543, %broadcast_in_dim3A_1545 : vector<40x80xi1>, vector<40x80xf32>
    %add3A_1547 = arith.addf %add3A_1463, %select_n3A_1546 : vector<40x80xf32>
    %jit3A_1548 = arith.constant 0.000000e+00 : f32
    %broadcast_in_dim3A_1549 = vector.broadcast %jit3A_1548 : f32 to vector<40x80xf32>
    %select_n3A_1550 = arith.select %gt3A_126, %add3A_1488, %broadcast_in_dim3A_1549 : vector<40x80xi1>, vector<40x80xf32>
    %reduce_sum3A = vector.shape_cast %select_n3A_1550 : vector<40x80xf32> to vector<1x40x80xf32>
    %reduce_sum3A_1551 = arith.constant dense<0.000000e+00> : vector<1xf32>
    %reduce_sum3A_1552 = vector.multi_reduction <add>, %reduce_sum3A, %reduce_sum3A_1551 [1, 2] : vector<1x40x80xf32> to vector<1xf32>
    %reduce_sum3A_1553 = vector.shape_cast %reduce_sum3A_1552 : vector<1xf32> to vector<1x1x1xf32>
    %reduce_sum3A_1554 = vector.extract %reduce_sum3A_1553[0, 0, 0] : f32 from vector<1x1x1xf32>
    %convert_element_type3A = arith.extui %gt3A_126 : vector<40x80xi1> to vector<40x80xi32>
    %convert_element_type3A_1555 = arith.sitofp %convert_element_type3A : vector<40x80xi32> to vector<40x80xf32>
    %reduce_sum3A_1556 = vector.shape_cast %convert_element_type3A_1555 : vector<40x80xf32> to vector<1x40x80xf32>
    %reduce_sum3A_1557 = arith.constant dense<0.000000e+00> : vector<1xf32>
    %reduce_sum3A_1558 = vector.multi_reduction <add>, %reduce_sum3A_1556, %reduce_sum3A_1557 [1, 2] : vector<1x40x80xf32> to vector<1xf32>
    %reduce_sum3A_1559 = vector.shape_cast %reduce_sum3A_1558 : vector<1xf32> to vector<1x1x1xf32>
    %reduce_sum3A_1560 = vector.extract %reduce_sum3A_1559[0, 0, 0] : f32 from vector<1x1x1xf32>
    %mul3A_1561 = arith.constant 1.700000e+01 : f32
    %mul3A_1562 = arith.mulf %mul3A_1561, %reduce_sum3A_1560 : f32
    %reduce_sum3A_1563 = vector.shape_cast %add3A_1547 : vector<40x80xf32> to vector<1x40x80xf32>
    %reduce_sum3A_1564 = arith.constant dense<0.000000e+00> : vector<1xf32>
    %reduce_sum3A_1565 = vector.multi_reduction <add>, %reduce_sum3A_1563, %reduce_sum3A_1564 [1, 2] : vector<1x40x80xf32> to vector<1xf32>
    %reduce_sum3A_1566 = vector.shape_cast %reduce_sum3A_1565 : vector<1xf32> to vector<1x1x1xf32>
    %reduce_sum3A_1567 = vector.extract %reduce_sum3A_1566[0, 0, 0] : f32 from vector<1x1x1xf32>
    %eq3A = arith.constant 0 : i32
    %eq3A_1568 = arith.cmpi eq, %add3A, %eq3A : i32
    %convert_element_type3A_1569 = arith.extui %eq3A_1568 : i1 to i32
    %cond3A = arith.constant 0 : i32
    %cond3A_1570 = arith.cmpi ne, %convert_element_type3A_1569, %cond3A : i32
    scf.if %cond3A_1570 {
      %swap3A = arith.constant 0 : index
      %swap3A_1575 = memref.load %arg7[%swap3A] : memref<3xf32, #tpu.memory_space<smem>>
      memref.store %reduce_sum3A_1554, %arg7[%swap3A] : memref<3xf32, #tpu.memory_space<smem>>
      %swap3A_1576 = arith.constant 1 : index
      %swap3A_1577 = memref.load %arg7[%swap3A_1576] : memref<3xf32, #tpu.memory_space<smem>>
      memref.store %mul3A_1562, %arg7[%swap3A_1576] : memref<3xf32, #tpu.memory_space<smem>>
      %swap3A_1578 = arith.constant 2 : index
      %swap3A_1579 = memref.load %arg7[%swap3A_1578] : memref<3xf32, #tpu.memory_space<smem>>
      memref.store %reduce_sum3A_1567, %arg7[%swap3A_1578] : memref<3xf32, #tpu.memory_space<smem>>
    } else {
    }
    %ne3A = arith.constant 0 : i32
    %ne3A_1571 = arith.cmpi ne, %add3A, %ne3A : i32
    %convert_element_type3A_1572 = arith.extui %ne3A_1571 : i1 to i32
    %cond3A_1573 = arith.constant 0 : i32
    %cond3A_1574 = arith.cmpi ne, %convert_element_type3A_1572, %cond3A_1573 : i32
    scf.if %cond3A_1574 {
      %get3A_1575 = arith.constant 0 : index
      %get3A_1576 = memref.load %arg7[%get3A_1575] : memref<3xf32, #tpu.memory_space<smem>>
      %add3A_1577 = arith.addf %get3A_1576, %reduce_sum3A_1554 : f32
      %swap3A = arith.constant 0 : index
      %swap3A_1578 = memref.load %arg7[%swap3A] : memref<3xf32, #tpu.memory_space<smem>>
      memref.store %add3A_1577, %arg7[%swap3A] : memref<3xf32, #tpu.memory_space<smem>>
      %get3A_1579 = arith.constant 1 : index
      %get3A_1580 = memref.load %arg7[%get3A_1579] : memref<3xf32, #tpu.memory_space<smem>>
      %add3A_1581 = arith.addf %get3A_1580, %mul3A_1562 : f32
      %swap3A_1582 = arith.constant 1 : index
      %swap3A_1583 = memref.load %arg7[%swap3A_1582] : memref<3xf32, #tpu.memory_space<smem>>
      memref.store %add3A_1581, %arg7[%swap3A_1582] : memref<3xf32, #tpu.memory_space<smem>>
      %get3A_1584 = arith.constant 2 : index
      %get3A_1585 = memref.load %arg7[%get3A_1584] : memref<3xf32, #tpu.memory_space<smem>>
      %add3A_1586 = arith.addf %get3A_1585, %reduce_sum3A_1567 : f32
      %swap3A_1587 = arith.constant 2 : index
      %swap3A_1588 = memref.load %arg7[%swap3A_1587] : memref<3xf32, #tpu.memory_space<smem>>
      memref.store %add3A_1586, %arg7[%swap3A_1587] : memref<3xf32, #tpu.memory_space<smem>>
    } else {
    }
    return
  }
  func.func @transform_0(%arg0: i32, %arg1: i32) -> (i32, i32, i32, i32) {
    %c0_i32 = arith.constant 0 : i32
    %c0_i32_0 = arith.constant 0 : i32
    %c0_i32_1 = arith.constant 0 : i32
    return %arg0, %c0_i32, %arg1, %c0_i32_0 : i32, i32, i32, i32
  }
  func.func @transform_1(%arg0: i32, %arg1: i32) -> (i32, i32, i32, i32, i32) {
    %c0_i32 = arith.constant 0 : i32
    %c0_i32_0 = arith.constant 0 : i32
    %c0_i32_1 = arith.constant 0 : i32
    %c0_i32_2 = arith.constant 0 : i32
    return %arg0, %c0_i32, %c0_i32_0, %arg1, %c0_i32_1 : i32, i32, i32, i32, i32
  }
  func.func @transform_2(%arg0: i32, %arg1: i32) -> (i32, i32, i32, i32) {
    %c0_i32 = arith.constant 0 : i32
    %c0_i32_0 = arith.constant 0 : i32
    %c0_i32_1 = arith.constant 0 : i32
    return %arg0, %c0_i32, %arg1, %c0_i32_0 : i32, i32, i32, i32
  }
  func.func @transform_3(%arg0: i32, %arg1: i32) -> (i32, i32, i32, i32) {
    %c0_i32 = arith.constant 0 : i32
    %c0_i32_0 = arith.constant 0 : i32
    %c0_i32_1 = arith.constant 0 : i32
    return %arg0, %c0_i32, %arg1, %c0_i32_0 : i32, i32, i32, i32
  }
  func.func @transform_4(%arg0: i32, %arg1: i32) -> (i32, i32, i32, i32, i32) {
    %c0_i32 = arith.constant 0 : i32
    %c0_i32_0 = arith.constant 0 : i32
    %c0_i32_1 = arith.constant 0 : i32
    %c0_i32_2 = arith.constant 0 : i32
    return %arg0, %c0_i32, %c0_i32_0, %arg1, %c0_i32_1 : i32, i32, i32, i32, i32
  }
  func.func @transform_5(%arg0: i32, %arg1: i32) -> i32 {
    %c0_i32 = arith.constant 0 : i32
    %c0_i32_0 = arith.constant 0 : i32
    return %c0_i32 : i32
  }
}

</mosaic_0001>

<sc_bundles>
// kernel: kernel.4.cloned.1.call-start
scs
__scs_entry_jumppad:
0x0: {  	(pc) =	sbr.rel $0x88, $3  }
0x1: {  	(tag) =	ssettag $0x0;
	lr =	simm.s32 $0x1  }
0x2: {  	[smem:$0x3F99] =	sst lr;
	_ =	strace $0xD0000000  }
0x3: {  	_ = 	snop  }
0x4: {  	_ = 	snop  }
0x5: {  	_ = 	snop  }
0x6: {  	_ = 	snop  }
0x7: {  	_ = 	snop  }
__scs_overlays_trampoline_lowered:
0x8: {  	[smem:$0x3FA8] =	sst s0  }
0x9: {  	[smem:$0x3FA9] =	sst s1  }
0xa: {  	[smem:$0x3FAA] =	sst s2  }
0xb: {  	[smem:$0x3FAB] =	sst s3  }
0xc: {  	[smem:$0x3FAC] =	sst s4  }
0xd: {  	[smem:$0x3FAD] =	sst s5  }
0xe: {  	[smem:$0x3FAE] =	sst s6  }
0xf: {  	[smem:$0x3FAF] =	sst s7  }
0x10: {  	[smem:$0x3FB0] =	sst s8  }
0x11: {  	[smem:$0x3FB1] =	sst s9;
	s0 =	simm.s32 @!p0 $0x0  }
0x12: {  	s1 =	sld [smem:$0x3F97];
	s0 =	simm.s32 @p0 $0x1  }
0x13: {  	[smem:$0x3FB2] =	sst s0;
	s0 =	simm.s32 @!p1 $0x0  }
0x14: {  	s2 =	sld [smem:$0x3F96];
	s0 =	simm.s32 @p1 $0x1  }
0x15: {  	[smem:$0x3FB3] =	sst s0;
	s0 =	simm.s32 @!p2 $0x0  }
0x16: {  	s3 =	sld [smem:$0x3FDB];
	s0 =	simm.s32 @p2 $0x1  }
0x17: {  	s4 =	simm.s32 $0x1BF5;
	[smem:$0x3FB5] =	sst s0  }
0x18: {  	s0 =	sld [smem:$0x3F98];
	_ =	swait.ge [sflag:s4], $0x0  }
0x19: {  	s7 =	sld [smem:$0x3F99]  }
0x1a: {  	s8 =	sadd.s32 $0xFFFFE003, lr  }
0x1b: {  	s9 =	sadd.s32 $0xFFFFFEF7, lr;
	s5 =	simm.s32 $0xFFFFFFFF;
	p2 =	slt.u32 s8, $0xFFFFF086  }
0x1c: {  	p1 =	slt.u32 s9, $0xF7A;
	s5 =	simm.s32 @!p2 $0x0  }
0x1d: {  	s5 =	simm.s32 @p1 $0x1;
	p0 =	seq.s32 s7, s2  }
0x1e: {  	s7 =	smul.u32 @!p0 $0xF7A, s2;
	p2 =	seq.s32 @!p0 s5, $0x0  }
0x1f: {  	s9 =	smul.u32 $0xF7A, s1;
	s8 =	simm.s32 @!p0 $0x1BF5;
	p2 =	por !p2, p0  }
0x20: {  	[sflag:s8] =	ssyncset.s32 @!p0 $0xFFFFF086;
	s6 =	sadd.s32 @!p0 s3, s7;
	s7 =	simm.s32 @!p0 $0x108  }
0x21: {  	s3 =	sadd.s32 s3, s9;
	s6 =	sadd.s32 @!p0 $0x88, s6;
	s7 =	simm.s32 @p2 $0x1082  }
0x22: {  	[simem:s7], [sflag:s8] =	dma.local @!p0 [hbm:s6], $0xF7A  }
0x23: {  	s9 =	sor.u32 $0xD0000000, s2;
	s6 =	simm.s32 $0x108;
	_ =	swait.ge @!p0 [sflag:s8], $0x0  }
0x24: {  	s3 =	sadd.s32 $0x88, s3;
	s6 =	simm.s32 @!p1 $0x1082;
	[sflag:s4] =	ssyncset.s32 $0xFFFFF086  }
0x25: {  	[simem:s6], [sflag:s4] =	dma.local [hbm:s3], $0xF7A  }
0x26: {  	[smem:$0x3F99] =	sst s1;
	(tag) =	ssettag s2;
	_ =	strace s9  }
0x27: {  	s1 =	sld [smem:$0x3FA9]  }
0x28: {  	s2 =	sld [smem:$0x3FAA]  }
0x29: {  	s4 =	sld [smem:$0x3FAC]  }
0x2a: {  	p0 =	seq.s32 s5, $0x0;
	s5 =	sld [smem:$0x3FAD]  }
0x2b: {  	s6 =	sld [smem:$0x3FAE]  }
0x2c: {  	s7 =	sld [smem:$0x3FAF]  }
0x2d: {  	s3 =	simm.s32 $0x108;
	s8 =	sld [smem:$0x3FB0]  }
0x2e: {  	s3 =	simm.s32 @!p0 $0x1082;
	s9 =	sld [smem:$0x3FB1]  }
0x2f: {  	lr =	sadd.s32 s0, s3;
	s0 =	sld [smem:$0x3FA8]  }
0x30: {  	s3 =	sld [smem:$0x3FAB]  }
0x31: {  	[smem:$0x3FB4] =	sst s10  }
0x32: {  	s10 =	sld [smem:$0x3FB2];
	_ =	sdelay $0x3  }
0x33: {  	p0 =	seq.s32 s10, $0x1;
	s10 =	sld [smem:$0x3FB4];
	_ =	sdelay $0x3  }
0x34: {  	[smem:$0x3FB4] =	sst s10  }
0x35: {  	s10 =	sld [smem:$0x3FB3];
	_ =	sdelay $0x3  }
0x36: {  	p1 =	seq.s32 s10, $0x1;
	s10 =	sld [smem:$0x3FB4];
	_ =	sdelay $0x3  }
0x37: {  	[smem:$0x3FB4] =	sst s10  }
0x38: {  	s10 =	sld [smem:$0x3FB5]  }
0x39: {  	_ = 	snop;
	(pc) =	sbr.ind lr, $3  }
0x3a: {  	_ = 	snop  }
0x3b: {  	_ = 	snop  }
0x3c: {  	p2 =	seq.s32 s10, $0x1;
	s10 =	sld [smem:$0x3FB4]  }
0x3d: {  	_ =	shalt  }
0x3e: {  	_ =	shalt  }
0x3f: {  	_ =	shalt  }
0x40: {  	_ =	shalt  }
0x41: {  	_ =	shalt  }
0x42: {  	_ =	shalt  }
0x43: {  	_ =	shalt  }
0x44: {  	_ =	shalt  }
0x45: {  	_ =	shalt  }
0x46: {  	_ =	shalt  }
0x47: {  	_ =	shalt  }
0x48: {  	_ =	shalt  }
0x49: {  	_ =	shalt  }
0x4a: {  	_ =	shalt  }
0x4b: {  	_ =	shalt  }
0x4c: {  	_ =	shalt  }
0x4d: {  	_ =	shalt  }
0x4e: {  	_ =	shalt  }
0x4f: {  	_ =	shalt  }
0x50: {  	_ =	shalt  }
0x51: {  	_ =	shalt  }
0x52: {  	_ =	shalt  }
0x53: {  	_ =	shalt  }
0x54: {  	_ =	shalt  }
0x55: {  	_ =	shalt  }
0x56: {  	_ =	shalt  }
0x57: {  	_ =	shalt  }
0x58: {  	_ =	shalt  }
0x59: {  	_ =	shalt  }
0x5a: {  	_ =	shalt  }
0x5b: {  	_ =	shalt  }
0x5c: {  	_ =	shalt  }
0x5d: {  	_ =	shalt  }
0x5e: {  	_ =	shalt  }
0x5f: {  	_ =	shalt  }
0x60: {  	_ =	shalt  }
0x61: {  	_ =	shalt  }
0x62: {  	_ =	shalt  }
0x63: {  	_ =	shalt  }
0x64: {  	_ =	shalt  }
0x65: {  	_ =	shalt  }
0x66: {  	_ =	shalt  }
0x67: {  	_ =	shalt  }
0x68: {  	_ =	shalt  }
0x69: {  	_ =	shalt  }
0x6a: {  	_ =	shalt  }
0x6b: {  	_ =	shalt  }
0x6c: {  	_ =	shalt  }
0x6d: {  	_ =	shalt  }
0x6e: {  	_ =	shalt  }
0x6f: {  	_ =	shalt  }
0x70: {  	_ =	shalt  }
0x71: {  	_ =	shalt  }
0x72: {  	_ =	shalt  }
0x73: {  	_ =	shalt  }
0x74: {  	_ =	shalt  }
0x75: {  	_ =	shalt  }
0x76: {  	_ =	shalt  }
0x77: {  	_ =	shalt  }
0x78: {  	_ =	shalt  }
0x79: {  	_ =	shalt  }
0x7a: {  	_ =	shalt  }
0x7b: {  	_ =	shalt  }
0x7c: {  	_ =	shalt  }
0x7d: {  	_ =	shalt  }
0x7e: {  	_ =	shalt  }
0x7f: {  	_ =	shalt  }
0x80: {  	_ =	shalt  }
0x81: {  	_ =	shalt  }
0x82: {  	_ =	shalt  }
0x83: {  	_ =	shalt  }
0x84: {  	_ =	shalt  }
0x85: {  	_ =	shalt  }
0x86: {  	_ =	shalt  }
0x87: {  	_ =	shalt  }
.Lfunc_end0:
.L_simem_size_0:
called_computation_lowered:
.L_overlay_start_0:
0x88: {  	s2 =	sld [smem:$0x3FD9]  }
0x89: {  	s3 =	sld [smem:$0x3FFE];
	_ =	sdelay $0x1  }
0x8a: {  	s1 =	srdreg.scid  }
0x8b: {  	s0 =	sand.u32 $0x1, s1  }
0x8c: {  	s16 =	sshll.u32 s0, $0xA;
	s2 =	sadd.s32 s3, s2  }
0x8d: {  	s2 =	sadd.s32 s2, s16  }
0x8e: {  	[smem:$0x3FC0] =	sst s2  }
0x8f: {  	_ = 	snop  }
0x90: {  	(tm) =	ssettm $0x1  }
0x91: {  	s17 =	sld [smem:$0x3FFB];
	_ =	sdelay $0x3  }
0x92: {  	_ =	strace s17  }
0x93: {  	s2 =	sld [smem:$0x3FFC];
	_ =	sdelay $0x3  }
0x94: {  	_ =	strace s2  }
0x95: {  	s2 =	sld [smem:$0x3FFD];
	_ =	sdelay $0x3  }
0x96: {  	_ =	strace s2  }
0x97: {  	_ =	strace $0x8FFFFFFF  }
0x98: {  	s18 =	sld [smem:$0x3FDB];
	_ =	sdelay $0x1  }
0x99: {  	s19 =	simm.s32 $_scs_section_size  }
0x9a: {  	s4 =	simm.s32 $_size__tile_overlayer_lowered;
	s5 =	simm.s32 $_tile_overlayer_lowered  }
0x9b: {  	s22 =	simm.s32 $0x1BFF;
	s21 =	sshll.u32 s5, $0x1;
	s2 =	sadd.s32 s19, s18  }
0x9c: {  	s6 =	simm.s32 $0x0;
	s20 =	sshll.u32 s4, $0x1;
	s4 =	sadd.s32 s21, s2  }
0x9d: {  	[timem:s6], [sflag:s22] =	dma.local [hbm:s4], s20  }
0x9e: {  	_ =	swait.ge [sflag:s22], s20  }
0x9f: {  	s3 =	ssub.s32 $0x0, s20;
	[sflag:s22] =	ssyncset.done $0x0  }
0xa0: {  	[sflag:s22] =	ssyncadd.s32 s3;
	_ =	sdelay $0x1  }
0xa1: {  	s23 =	simm.s32 $0x1B8B  }
0xa2: {  	_ =	swait.ge [sflag:s23], $0x1  }
0xa3: {  	[sflag:s23] =	ssyncset.done $0x0  }
0xa4: {  	s25 =	simm.s32 $0x1B8E;
	s24 =	sld [smem:$0x3FFE];
	[sflag:s23] =	ssyncadd.s32 $0xFFFFFFFF  }
0xa5: {  	s26 =	simm.s32 $execute0_lowered;
	[smem:$0x3FD2] =	sst s25  }
0xa6: {  	s4 =	sshll.u32 s26, $0x1;
	_ =	strace $0x80000046;
	[dreg:$0x1] =	wrdreg $0xFFFFFFFF  }
0xa7: {  	s28 =	simm.s32 $_size_execute0_lowered;
	s2 =	sadd.s32 s2, s4;
	[dreg:$0x0] =	wrdreg $0x0  }
0xa8: {  	s4 =	sshll.u32 s28, $0x1;
	[dreg:$0x2] =	wrdreg s2  }
0xa9: {  	[dreg:$0x3] =	wrdreg s4  }
0xaa: {  	[dreg:$0x4] =	wrdreg $0xC0  }
0xab: {  	_ =	task [dreg:s6], $0x5FFFF  }
0xac: {  	[dreg:$0x1] =	wrdreg $0xFFFFFFFF  }
0xad: {  	[dreg:$0x0] =	wrdreg $0x60  }
0xae: {  	[dreg:$0x2] =	wrdreg s24  }
0xaf: {  	[dreg:$0x3] =	wrdreg $0x9  }
0xb0: {  	_ =	task.clear_ibuf [dreg:s6], $0x4FFFF;
	_ =	strace $0x90000046  }
0xb1: {  	s29 =	simm.s32 $0x9;
	_ =	strace $0x80000048  }
0xb2: {  	_ =	swait.ge [sflag:s29], $0x1  }
0xb3: {  	[sflag:s29] =	ssyncadd.s32 $0xFFFFFFFF  }
0xb4: {  	_ =	strace $0x90000048  }
0xb5: {  	_ =	sfence  }
0xb6: {  	s30 =	sld [smem:$0x0];
	_ =	sdelay $0x2  }
0xb7: {  	s31 =	sshll.u32 s1, $0xD;
	s1 =	sshrl.u32 s1, $0x2  }
0xb8: {  	s3 =	sand.u32 $0x4000, s31;
	s1 =	sadd.s32 s1, s30  }
0xb9: {  	s0 =	sor.u32 s3, s0;
	s1 =	sshll.u32 s1, $0x11  }
0xba: {  	s0 =	sor.u32 s1, s0  }
0xbb: {  	s0 =	sadd.s32 $0x8F2B, s0  }
0xbc: {  	[sflag:s0] =	ssyncadd.remote.s32 $0x1  }
0xbd: {  	_ =	sfence.sel $0xFFFF  }
0xbe: {  	[dreg:$0x0] =	wrdreg $0xFFFFFFFF;
	(pc) =	sbr.abs _section_cstart, $3  }
0xbf: {  	[dreg:$0x1] =	wrdreg $0xFFFFFFFF  }
0xc0: {  	_ =	task.clear_ibuf [dreg:s6], $0x2FFFF;
	_ =	strace $0x9FFFFFFF  }
0xc1: {  	(tm) =	ssettm $0x7FFFFFFF  }
tec
execute0_lowered:
.L_overlay_start_1:
0x0: {  	(tag) =	ssettag $0x1  }
0x1: {  	s2 =	rddreg [dreg:$0x0]  }
0x2: {  	s0 =	rddreg [dreg:$0x1];
	s1 =	simm.s32 $0x0;
	s3 =	srdreg.scid  }
0x3: {  	[smem:$0x7FF] =	sst s1;
	s5 =	sand.u32 $0x1, s3;
	s3 =	sadd.s32 $0x600, s2  }
0x4: {  	_ =	strace $0x80000047;
	s4 =	sshll.u32 s5, $0x4;
	s5 =	ssub.s32 $0x2, s5  }
0x5: {  	[tilespmem:s1], [sflag:$0x1] =	stream.linear.gather [hbm4b:s3+s1], $0x880, $0x38;
	[tilespmem:$0xC80] =	vst v63  }
0x6: {  	s7 =	sshrl.u32 s5, $0x1  }
0x7: {  	s6 =	sadd.s32 s4, s2;
	s4 =	simm.s32 $0x1;
	s7 =	ssub.s32 s5, s7  }
0x8: {  	s2 =	stileid.u32;
	_ =	swait.ge [sflag:s4], $0x880;
	s7 =	smax.u32 s7, $0x1  }
0x9: {  	s8 =	sshll.u32 s2, $0x5;
	[sflag:s4] =	ssyncset.done $0x0;
	p0 =	sne.s32 s7, $0x1  }
.Ltmp0:
0xa: {  	v0 =	vimm.f32 $0.0e+00;
	s31 =	sadd.s32 s8, s6;
	[sflag:s4] =	ssyncadd.s32 $0xFFFFF780;
	(pc) =	sbr.rel @!p0 .LBB2_2-.Ltmp0, $4  }
0xb: {  	s6 =	simm.s32 $0xC00;
	s5 =	sadd.s32 $0x800, s31;
	[tilespmem:$0xC00] =	vst v0  }
0xc: {  	[hbm4b:s5+s1] =	stream.linear.scatter [tilespmem:s6], [sflag:$0x1], $0x80, $0x38;
	[tilespmem:$0xC80] =	vst v63  }
0xd: {  	_ =	swait.ge [sflag:s4], $0x80  }
0xe: {  	s7 =	sadd.s32 $0xFFFFFFFF, s7;
	[sflag:s4] =	ssyncset.done $0x0  }
.LBB2_1:
0xf: {  	p0 =	sne.s32 s7, $0x1;
	s7 =	sadd.s32 $0xFFFFFFFF, s7;
	[sflag:s4] =	ssyncadd.s32 $0xFFFFFF80  }
0x10: {  	[tilespmem:s1], [sflag:$0x1] =	stream.linear.gather [hbm4b:s3+s1], $0x880, $0x38;
	[tilespmem:$0xC80] =	vst v63  }
0x11: {  	_ =	swait.ge [sflag:s4], $0x880  }
0x12: {  	[sflag:s4] =	ssyncset.done $0x0  }
.Ltmp1:
0x13: {  	[sflag:s4] =	ssyncadd.s32 $0xFFFFF780;
	(pc) =	sbr.rel @p0 .LBB2_1-.Ltmp1, $4  }
0x14: {  	[tilespmem:$0xC00] =	vst v0  }
0x15: {  	[hbm4b:s5+s1] =	stream.linear.scatter [tilespmem:s6], [sflag:$0x1], $0x80, $0x38;
	[tilespmem:$0xC80] =	vst v63  }
0x16: {  	_ =	swait.ge [sflag:s4], $0x80  }
0x17: {  	[sflag:s4] =	ssyncset.done $0x0  }
.LBB2_2:
0x18: {  	[sflag:s4] =	ssyncadd.s32 $0xFFFFFF80  }
0x19: {  	_ =	sfence.sel $0x180000  }
0x1a: {  	[bflag:$0x0] =	sbarrier.arrive $0xFFFF  }
0x1b: {  	p0 =	sne.s32 s2, $0x0;
	_ =	strace $0x90000047  }
0x1c: {  	s0 =	sadd.s32 @!p0 $0x100000, s0;
	[bflag:$0x2] =	sbarrier.arrive $0xFFFF  }
0x1d: {  	[sflag:s0] =	ssyncadd.tile.s32 @!p0 $0x1;
	_ =	shalt  }
.Lfunc_end2:
_tile_overlayer_lowered:
.L_overlay_start_2:
0x1e: {  	(tag) =	ssettag $0x2  }
0x1f: {  	s0 =	rddreg [dreg:$0x0];
	s2 =	stileid.u32  }
0x20: {  	s1 =	rddreg [dreg:$0x1];
	p0 =	sne.s32 s2, $0x0  }
0x21: {  	s3 =	rddreg [dreg:$0x2];
	[bflag:$0x3] =	sbarrier.arrive $0xFFFF;
	s2 =	simm.s32 @!p0 $0x1C01  }
0x22: {  	[timem:s3], [sflag:s2] =	dma.local @!p0 [hbm:s0], s1  }
0x23: {  	s0 =	simm.s32 @!p0 $0x1  }
0x24: {  	_ =	swait.ge @!p0 [sflag:s0], s1  }
0x25: {  	s1 =	ssub.s32 @!p0 $0x0, s1;
	[sflag:s0] =	ssyncset.done @!p0 $0x0  }
0x26: {  	[sflag:s0] =	ssyncadd.s32 @!p0 s1  }
0x27: {  	[bflag:$0x3] =	sbarrier.arrive $0xFFFF  }
0x28: {  	_ =	shalt  }

</sc_bundles>
